<compile_context>
chip_gen: v7x
topology: tpu7x:2x2x1
jax: 0.10.2.dev20260603
libtpu: 0.0.44.dev20260713+nightly
codegen_flags: <defaults>
</compile_context>

<pallas_src>
import functools

import jax
import jax.numpy as jnp
from jax import lax
from jax.experimental import pallas as pl
from jax.experimental.pallas import tpu as pltpu
from jax.experimental.pallas import tpu_sc as plsc

N_NODES = 10000
N_EDGES = 320000
D_IN = 128
D_HID = 64
D_OUT = 128

NC = 2
NS = 16
NW = NC * NS

N_PAD = 10240
ROWS_PER_SUB = N_PAD // NS
CHUNK = 1024
E_PAD = 327680
CPT = E_PAD // NW // CHUNK
BLK = 256
GRID = N_PAD // BLK

_mesh = plsc.VectorSubcoreMesh(
    core_axis_name="c", subcore_axis_name="s", num_cores=NC, num_subcores=NS
)
_sc_params = pltpu.CompilerParams(use_tc_tiling_on_sc=False)


def _sc_agg_body(u_hbm, zero_hbm, src_hbm, dst_hbm, out_hbm,
                 u_sh, acc_sh, sidx_v, didx_v, buf_v):
    c = lax.axis_index("c")
    s = lax.axis_index("s")
    wid = c * NS + s
    row0 = s * ROWS_PER_SUB
    pltpu.sync_copy(u_hbm.at[pl.ds(row0, ROWS_PER_SUB)],
                    u_sh.at[pl.ds(row0, ROWS_PER_SUB)])
    pltpu.sync_copy(zero_hbm.at[pl.ds(row0, ROWS_PER_SUB)],
                    acc_sh.at[pl.ds(row0, ROWS_PER_SUB)])
    plsc.subcore_barrier()

    def body(j, carry):
        pltpu.sync_copy(src_hbm.at[wid, j], sidx_v)
        pltpu.sync_copy(dst_hbm.at[wid, j], didx_v)
        pltpu.sync_copy(u_sh.at[sidx_v], buf_v)
        pltpu.sync_copy(buf_v, acc_sh.at[didx_v], add=True)
        return carry

    lax.fori_loop(0, CPT, body, 0)
    plsc.subcore_barrier()
    pltpu.sync_copy(acc_sh.at[pl.ds(row0, ROWS_PER_SUB)],
                    out_hbm.at[c, pl.ds(row0, ROWS_PER_SUB)])


_sc_agg = functools.partial(
    pl.kernel,
    out_type=jax.ShapeDtypeStruct((NC, N_PAD, D_HID), jnp.bfloat16),
    mesh=_mesh,
    scratch_types=[
        pltpu.VMEM_SHARED((N_PAD, D_HID), jnp.bfloat16),
        pltpu.VMEM_SHARED((N_PAD, D_HID), jnp.bfloat16),
        pltpu.VMEM((CHUNK,), jnp.int32),
        pltpu.VMEM((CHUNK,), jnp.int32),
        pltpu.VMEM((CHUNK, D_HID), jnp.bfloat16),
    ],
    compiler_params=_sc_params,
)(_sc_agg_body)


def _sc_deg_body(ones_hbm, zero_hbm, dst_hbm, out_hbm,
                 deg_sh, dst_v, ones_v):
    c = lax.axis_index("c")
    s = lax.axis_index("s")
    wid = c * NS + s
    row0 = s * ROWS_PER_SUB
    pltpu.sync_copy(zero_hbm.at[pl.ds(row0, ROWS_PER_SUB)],
                    deg_sh.at[pl.ds(row0, ROWS_PER_SUB)])
    pltpu.sync_copy(ones_hbm, ones_v)
    plsc.subcore_barrier()

    def body(j, carry):
        pltpu.sync_copy(dst_hbm.at[wid, j], dst_v)
        pltpu.sync_copy(ones_v, deg_sh.at[dst_v], add=True)
        return carry

    lax.fori_loop(0, CPT, body, 0)
    plsc.subcore_barrier()
    pltpu.sync_copy(deg_sh.at[pl.ds(row0, ROWS_PER_SUB)],
                    out_hbm.at[c, pl.ds(row0, ROWS_PER_SUB)])


_sc_deg = functools.partial(
    pl.kernel,
    out_type=jax.ShapeDtypeStruct((NC, N_PAD, 16), jnp.float32),
    mesh=_mesh,
    scratch_types=[
        pltpu.VMEM_SHARED((N_PAD, 16), jnp.float32),
        pltpu.VMEM((CHUNK,), jnp.int32),
        pltpu.VMEM((CHUNK, 16), jnp.float32),
    ],
    compiler_params=_sc_params,
)(_sc_deg_body)


def _tc_h0_body(x_ref, w_ref, h_ref):
    h_ref[:N_NODES] = jnp.dot(x_ref[...], w_ref[...],
                              preferred_element_type=jnp.float32)
    h_ref[N_NODES:] = jnp.zeros((N_PAD - N_NODES, D_HID), jnp.float32)


def _tc_h0(x, W0):
    return pl.pallas_call(
        _tc_h0_body,
        out_shape=jax.ShapeDtypeStruct((N_PAD, D_HID), jnp.float32),
    )(x, W0)


def _tc_scale_body(h_ref, degp_ref, u_ref, ub_ref, dis_ref):
    deg = degp_ref[0, :, :1] + degp_ref[1, :, :1] + 1.0
    dis = jnp.where(deg > 0, lax.rsqrt(deg), 0.0)
    u = dis * h_ref[...]
    u_ref[...] = u
    ub_ref[...] = u.astype(jnp.bfloat16)
    dis_ref[...] = dis


def _tc_scale(h, degp):
    return pl.pallas_call(
        _tc_scale_body,
        out_shape=[
            jax.ShapeDtypeStruct((N_PAD, D_HID), jnp.float32),
            jax.ShapeDtypeStruct((N_PAD, D_HID), jnp.bfloat16),
            jax.ShapeDtypeStruct((N_PAD, 1), jnp.float32),
        ],
    )(h, degp)


def _ln_relu(t, g, be, eps=1e-5):
    mu = jnp.mean(t, axis=-1, keepdims=True)
    var = jnp.mean((t - mu) ** 2, axis=-1, keepdims=True)
    tn = (t - mu) * lax.rsqrt(var + eps) * g + be
    return jnp.maximum(tn, 0.0)


def _tc_mid_body(has_res, aggp_ref, u_ref, dis_ref, b_ref, g_ref,
                 be_ref, wn_ref, *rest):
    if has_res:
        hprev_ref, h_ref, un_ref, unb_ref = rest
    else:
        h_ref, un_ref, unb_ref = rest
    dis = dis_ref[...]
    agg = (aggp_ref[0].astype(jnp.float32) + aggp_ref[1].astype(jnp.float32))
    t = dis * (agg + u_ref[...]) + b_ref[...]
    h = _ln_relu(t, g_ref[...], be_ref[...])
    if has_res:
        h = hprev_ref[...] + h
    h_ref[...] = h
    un = dis * jnp.dot(h, wn_ref[...], preferred_element_type=jnp.float32)
    un_ref[...] = un
    unb_ref[...] = un.astype(jnp.bfloat16)


def _tc_mid(aggp, u, dis, b, g, be, Wn, hprev=None):
    has_res = hprev is not None
    ins = [aggp, u, dis, b.reshape(1, D_HID), g.reshape(1, D_HID),
           be.reshape(1, D_HID), Wn]
    if has_res:
        ins.append(hprev)
    return pl.pallas_call(
        functools.partial(_tc_mid_body, has_res),
        out_shape=[
            jax.ShapeDtypeStruct((N_PAD, D_HID), jnp.float32),
            jax.ShapeDtypeStruct((N_PAD, D_HID), jnp.float32),
            jax.ShapeDtypeStruct((N_PAD, D_HID), jnp.bfloat16),
        ],
    )(*ins)


def _tc_fin_body(aggp_ref, u_ref, dis_ref, b_ref, g_ref, be_ref,
                 hprev_ref, wa_ref, ba_ref, wb_ref, bb_ref, out_ref):
    dis = dis_ref[...]
    agg = (aggp_ref[0].astype(jnp.float32) + aggp_ref[1].astype(jnp.float32))
    t = dis * (agg + u_ref[...]) + b_ref[...]
    h = hprev_ref[...] + _ln_relu(t, g_ref[...], be_ref[...])
    row = lax.broadcasted_iota(jnp.int32, (N_PAD, 1), 0)
    h = jnp.where(row < N_NODES, h, 0.0)
    mean = jnp.sum(h, axis=0, keepdims=True) * (1.0 / N_NODES)
    hid = jnp.maximum(
        jnp.dot(mean, wa_ref[...], preferred_element_type=jnp.float32)
        + ba_ref[...], 0.0)
    out_ref[...] = (
        jnp.dot(hid, wb_ref[...], preferred_element_type=jnp.float32)
        + bb_ref[...])


def _tc_fin(aggp, u, dis, b, g, be, hprev, Wa, ba, Wb, bb):
    return pl.pallas_call(
        _tc_fin_body,
        out_shape=jax.ShapeDtypeStruct((1, D_OUT), jnp.float32),
    )(aggp, u, dis, b.reshape(1, D_HID), g.reshape(1, D_HID),
      be.reshape(1, D_HID), hprev, Wa, ba.reshape(1, D_HID), Wb,
      bb.reshape(1, D_OUT))


def kernel(x, edge_index, W0, b0, W1, b1, W2, b2, g0, be0, g1, be1, g2, be2,
           Wa, ba, Wb, bb):
    src = edge_index[0].astype(jnp.int32)
    dst = edge_index[1].astype(jnp.int32)
    pad = jnp.full((E_PAD - N_EDGES,), N_NODES, dtype=jnp.int32)
    src_r = jnp.concatenate([src, pad]).reshape(NW, CPT, CHUNK)
    dst_r = jnp.concatenate([dst, pad]).reshape(NW, CPT, CHUNK)

    zeros64 = jnp.zeros((N_PAD, D_HID), jnp.bfloat16)
    zeros16 = jnp.zeros((N_PAD, 16), jnp.float32)
    ones16 = jnp.ones((CHUNK, 16), jnp.float32)

    h0 = _tc_h0(x, W0)
    degp = _sc_deg(ones16, zeros16, dst_r)
    u0, u0b, dis = _tc_scale(h0, degp)

    agg0 = _sc_agg(u0b, zeros64, src_r, dst_r)
    h1, u1, u1b = _tc_mid(agg0, u0, dis, b0, g0, be0, W1)

    agg1 = _sc_agg(u1b, zeros64, src_r, dst_r)
    h2, u2, u2b = _tc_mid(agg1, u1, dis, b1, g1, be1, W2, hprev=h1)

    agg2 = _sc_agg(u2b, zeros64, src_r, dst_r)
    return _tc_fin(agg2, u2, dis, b2, g2, be2, h2, Wa, ba, Wb, bb)

# --- scband reference (transcript-rebuilt; emitter-appended) ---
"""Pipeline reference for scband-gnnencoder-70007966925398 (READ-ONLY COPY).

The authoritative reference and input builder live on the scoring server;
editing this copy changes nothing except your own understanding.
"""

import jax, jax.numpy as jnp
import numpy as np

N_NODES = 10000
N_EDGES = 320000
D_IN = 128
D_HID = 64
D_OUT = 128


def _layer_norm(x, g, b, eps=1e-5):
    mu = jnp.mean(x, axis=-1, keepdims=True)
    var = jnp.mean((x - mu) ** 2, axis=-1, keepdims=True)
    return (x - mu) / jnp.sqrt(var + eps) * g + b


def _gcn_conv(x, edge_index, W, b):
    n = x.shape[0]
    loop = jnp.arange(n, dtype=edge_index.dtype)
    src = jnp.concatenate([edge_index[0], loop])
    dst = jnp.concatenate([edge_index[1], loop])
    deg = jnp.zeros((n,), dtype=x.dtype).at[dst].add(1.0)
    dis = jnp.where(deg > 0, deg ** -0.5, 0.0)
    norm = dis[src] * dis[dst]
    h = x @ W
    msg = h[src] * norm[:, None]
    out = jnp.zeros((n, W.shape[1]), dtype=x.dtype).at[dst].add(msg)
    return out + b


def setup_inputs(seed: int = 0) -> dict:
    key = jax.random.key(seed)
    ks = jax.random.split(key, 16)
    x = jax.random.normal(ks[0], (N_NODES, D_IN), dtype=jnp.float32)
    edge_index = jax.random.randint(ks[1], (2, N_EDGES), 0, N_NODES, dtype=jnp.int64)
    inp = {"x": x, "edge_index": edge_index}
    # GCN conv weights
    inp["W0"] = jax.random.normal(ks[2], (D_IN, D_HID), dtype=jnp.float32) * (1.0 / np.sqrt(D_IN))
    inp["b0"] = jnp.zeros((D_HID,), dtype=jnp.float32)
    inp["W1"] = jax.random.normal(ks[3], (D_HID, D_HID), dtype=jnp.float32) * (1.0 / np.sqrt(D_HID))
    inp["b1"] = jnp.zeros((D_HID,), dtype=jnp.float32)
    inp["W2"] = jax.random.normal(ks[4], (D_HID, D_HID), dtype=jnp.float32) * (1.0 / np.sqrt(D_HID))
    inp["b2"] = jnp.zeros((D_HID,), dtype=jnp.float32)
    # LayerNorm params
    for i in range(3):
        inp[f"g{i}"] = jnp.ones((D_HID,), dtype=jnp.float32)
        inp[f"be{i}"] = jnp.zeros((D_HID,), dtype=jnp.float32)
    # MLP params
    inp["Wa"] = jax.random.normal(ks[5], (D_HID, D_HID), dtype=jnp.float32) * (1.0 / np.sqrt(D_HID))
    inp["ba"] = jnp.zeros((D_HID,), dtype=jnp.float32)
    inp["Wb"] = jax.random.normal(ks[6], (D_HID, D_OUT), dtype=jnp.float32) * (1.0 / np.sqrt(D_HID))
    inp["bb"] = jnp.zeros((D_OUT,), dtype=jnp.float32)
    return inp


def reference(x, edge_index, W0, b0, W1, b1, W2, b2, g0, be0, g1, be1, g2, be2, Wa, ba, Wb, bb):
    convs = [(W0, b0), (W1, b1), (W2, b2)]
    lns = [(g0, be0), (g1, be1), (g2, be2)]
    h = x
    for (W, b), (g, be) in zip(convs, lns):
        h_new = _gcn_conv(h, edge_index, W, b)
        h_new = _layer_norm(h_new, g, be)
        h_new = jax.nn.relu(h_new)
        # dropout is identity in eval mode
        if h.shape[-1] == h_new.shape[-1]:
            h = h + h_new
        else:
            h = h_new
    h_graph = jnp.mean(h, axis=0, keepdims=True)
    hidden = jax.nn.relu(h_graph @ Wa + ba)
    embedding = hidden @ Wb + bb
    return embedding

if __name__ == "__main__":
    import jax
    _d = setup_inputs()
    print(jax.jit(kernel)(*tuple(_d.values())))

</pallas_src>

<mosaic_0001>
#map = affine_map<(d0, d1) -> (0, 0)>
#map1 = affine_map<(d0, d1) -> (0, 0, 0)>
module attributes {stable_mosaic.version = 14 : i64} {
  func.func @_sc_agg_body(%arg0: i32, %arg1: i32, %arg2: memref<10240x64xbf16, #tpu.memory_space<hbm>>, %arg3: memref<10240x64xbf16, #tpu.memory_space<hbm>>, %arg4: memref<32x10x1024xi32, #tpu.memory_space<hbm>>, %arg5: memref<32x10x1024xi32, #tpu.memory_space<hbm>>, %arg6: memref<2x10240x64xbf16, #tpu.memory_space<hbm>>, %arg7: memref<10240x64xbf16, #tpu.memory_space<vmem_shared>>, %arg8: memref<10240x64xbf16, #tpu.memory_space<vmem_shared>>, %arg9: memref<1024xi32, #tpu.memory_space<vmem>>, %arg10: memref<1024xi32, #tpu.memory_space<vmem>>, %arg11: memref<1024x64xbf16, #tpu.memory_space<vmem>>) attributes {dimension_semantics = [#tpu.dimension_semantics<core_parallel>, #tpu.dimension_semantics<subcore_parallel>], iteration_bounds = array<i64: 2, 16>, scalar_prefetch = 0 : i64, scratch_operands = 5 : i64, tpu.core_type = #tpu.core_type<sc_vector_subcore>, window_params = [{transform_indices = #map}, {transform_indices = #map}, {transform_indices = #map1}, {transform_indices = #map1}, {transform_indices = #map1}]} {
    %mul3A = arith.constant 16 : i32
    %mul3A_0 = arith.muli %arg0, %mul3A : i32
    %add3A = arith.addi %mul3A_0, %arg1 : i32
    %mul3A_1 = arith.constant 640 : i32
    %mul3A_2 = arith.muli %arg1, %mul3A_1 : i32
    "tpu.region"() ({
      %run_scoped3A = tpu.sem_alloc : memref<!tpu.dma_semaphore, #tpu.memory_space<semaphore_mem>>
      %dma_start3A = arith.constant 0 : i32
      %dma_start3A_9 = tpu.memref_slice %arg7[%mul3A_2, %dma_start3A] : memref<10240x64xbf16, #tpu.memory_space<vmem_shared>> -> memref<640x64xbf16, #tpu.memory_space<vmem_shared>>
      %dma_start3A_10 = arith.constant 0 : i32
      %dma_start3A_11 = tpu.memref_slice %arg2[%mul3A_2, %dma_start3A_10] : memref<10240x64xbf16, #tpu.memory_space<hbm>> -> memref<640x64xbf16, #tpu.memory_space<hbm>>
      tpu.enqueue_dma source(%dma_start3A_11 : memref<640x64xbf16, #tpu.memory_space<hbm>>) target(%dma_start3A_9 : memref<640x64xbf16, #tpu.memory_space<vmem_shared>>) target_semaphore(%run_scoped3A : memref<!tpu.dma_semaphore, #tpu.memory_space<semaphore_mem>>)
      %dma_wait3A = arith.constant 0 : i32
      %dma_wait3A_12 = tpu.memref_slice %arg7[%mul3A_2, %dma_wait3A] : memref<10240x64xbf16, #tpu.memory_space<vmem_shared>> -> memref<640x64xbf16, #tpu.memory_space<vmem_shared>>
      %dma_wait3A_13 = arith.constant 0 : i32
      %dma_wait3A_14 = tpu.memref_slice %arg2[%mul3A_2, %dma_wait3A_13] : memref<10240x64xbf16, #tpu.memory_space<hbm>> -> memref<640x64xbf16, #tpu.memory_space<hbm>>
      tpu.wait_dma2 semaphore(%run_scoped3A : memref<!tpu.dma_semaphore, #tpu.memory_space<semaphore_mem>>) src(%dma_wait3A_14 : memref<640x64xbf16, #tpu.memory_space<hbm>>) dst(%dma_wait3A_12 : memref<640x64xbf16, #tpu.memory_space<vmem_shared>>)
      tpu.yield
    }) : () -> ()
    "tpu.region"() ({
      %run_scoped3A = tpu.sem_alloc : memref<!tpu.dma_semaphore, #tpu.memory_space<semaphore_mem>>
      %dma_start3A = arith.constant 0 : i32
      %dma_start3A_9 = tpu.memref_slice %arg8[%mul3A_2, %dma_start3A] : memref<10240x64xbf16, #tpu.memory_space<vmem_shared>> -> memref<640x64xbf16, #tpu.memory_space<vmem_shared>>
      %dma_start3A_10 = arith.constant 0 : i32
      %dma_start3A_11 = tpu.memref_slice %arg3[%mul3A_2, %dma_start3A_10] : memref<10240x64xbf16, #tpu.memory_space<hbm>> -> memref<640x64xbf16, #tpu.memory_space<hbm>>
      tpu.enqueue_dma source(%dma_start3A_11 : memref<640x64xbf16, #tpu.memory_space<hbm>>) target(%dma_start3A_9 : memref<640x64xbf16, #tpu.memory_space<vmem_shared>>) target_semaphore(%run_scoped3A : memref<!tpu.dma_semaphore, #tpu.memory_space<semaphore_mem>>)
      %dma_wait3A = arith.constant 0 : i32
      %dma_wait3A_12 = tpu.memref_slice %arg8[%mul3A_2, %dma_wait3A] : memref<10240x64xbf16, #tpu.memory_space<vmem_shared>> -> memref<640x64xbf16, #tpu.memory_space<vmem_shared>>
      %dma_wait3A_13 = arith.constant 0 : i32
      %dma_wait3A_14 = tpu.memref_slice %arg3[%mul3A_2, %dma_wait3A_13] : memref<10240x64xbf16, #tpu.memory_space<hbm>> -> memref<640x64xbf16, #tpu.memory_space<hbm>>
      tpu.wait_dma2 semaphore(%run_scoped3A : memref<!tpu.dma_semaphore, #tpu.memory_space<semaphore_mem>>) src(%dma_wait3A_14 : memref<640x64xbf16, #tpu.memory_space<hbm>>) dst(%dma_wait3A_12 : memref<640x64xbf16, #tpu.memory_space<vmem_shared>>)
      tpu.yield
    }) : () -> ()
    %barrier3A = arith.constant 0 : index
    tpu.barrier barrier_id(%barrier3A)
    %scan3A = arith.constant 0 : i32
    %scan3A_3 = arith.constant 0 : i32
    %scan3A_4 = arith.constant 10 : i32
    %scan3A_5 = arith.addi %scan3A_3, %scan3A_4 : i32
    %scan3A_6 = arith.constant 1 : i32
    scf.for %scan3A_9 = %scan3A_3 to %scan3A_5 step %scan3A_6  : i32 {
      "tpu.region"() ({
        %run_scoped3A = tpu.sem_alloc : memref<!tpu.dma_semaphore, #tpu.memory_space<semaphore_mem>>
        %dma_start3A = arith.constant 0 : i32
        %dma_start3A_10 = tpu.memref_slice %arg4[%add3A, %scan3A_9, %dma_start3A] : memref<32x10x1024xi32, #tpu.memory_space<hbm>> -> memref<1x1x1024xi32, #tpu.memory_space<hbm>>
        %dma_start3A_11 = tpu.memref_squeeze %dma_start3A_10 : memref<1x1x1024xi32, #tpu.memory_space<hbm>> -> memref<1024xi32, #tpu.memory_space<hbm>>
        %dma_start3A_12 = arith.constant 0 : i32
        %dma_start3A_13 = tpu.memref_slice %arg4[%add3A, %scan3A_9, %dma_start3A_12] : memref<32x10x1024xi32, #tpu.memory_space<hbm>> -> memref<1x1x1024xi32, #tpu.memory_space<hbm>>
        %dma_start3A_14 = tpu.memref_squeeze %dma_start3A_13 : memref<1x1x1024xi32, #tpu.memory_space<hbm>> -> memref<1024xi32, #tpu.memory_space<hbm>>
        tpu.enqueue_dma source(%dma_start3A_14 : memref<1024xi32, #tpu.memory_space<hbm>>) target(%arg9 : memref<1024xi32, #tpu.memory_space<vmem>>) target_semaphore(%run_scoped3A : memref<!tpu.dma_semaphore, #tpu.memory_space<semaphore_mem>>)
        %dma_wait3A = arith.constant 0 : i32
        %dma_wait3A_15 = tpu.memref_slice %arg4[%add3A, %scan3A_9, %dma_wait3A] : memref<32x10x1024xi32, #tpu.memory_space<hbm>> -> memref<1x1x1024xi32, #tpu.memory_space<hbm>>
        %dma_wait3A_16 = tpu.memref_squeeze %dma_wait3A_15 : memref<1x1x1024xi32, #tpu.memory_space<hbm>> -> memref<1024xi32, #tpu.memory_space<hbm>>
        %dma_wait3A_17 = arith.constant 0 : i32
        %dma_wait3A_18 = tpu.memref_slice %arg4[%add3A, %scan3A_9, %dma_wait3A_17] : memref<32x10x1024xi32, #tpu.memory_space<hbm>> -> memref<1x1x1024xi32, #tpu.memory_space<hbm>>
        %dma_wait3A_19 = tpu.memref_squeeze %dma_wait3A_18 : memref<1x1x1024xi32, #tpu.memory_space<hbm>> -> memref<1024xi32, #tpu.memory_space<hbm>>
        tpu.wait_dma2 semaphore(%run_scoped3A : memref<!tpu.dma_semaphore, #tpu.memory_space<semaphore_mem>>) src(%dma_wait3A_19 : memref<1024xi32, #tpu.memory_space<hbm>>) dst(%arg9 : memref<1024xi32, #tpu.memory_space<vmem>>)
        tpu.yield
      }) : () -> ()
      "tpu.region"() ({
        %run_scoped3A = tpu.sem_alloc : memref<!tpu.dma_semaphore, #tpu.memory_space<semaphore_mem>>
        %dma_start3A = arith.constant 0 : i32
        %dma_start3A_10 = tpu.memref_slice %arg5[%add3A, %scan3A_9, %dma_start3A] : memref<32x10x1024xi32, #tpu.memory_space<hbm>> -> memref<1x1x1024xi32, #tpu.memory_space<hbm>>
        %dma_start3A_11 = tpu.memref_squeeze %dma_start3A_10 : memref<1x1x1024xi32, #tpu.memory_space<hbm>> -> memref<1024xi32, #tpu.memory_space<hbm>>
        %dma_start3A_12 = arith.constant 0 : i32
        %dma_start3A_13 = tpu.memref_slice %arg5[%add3A, %scan3A_9, %dma_start3A_12] : memref<32x10x1024xi32, #tpu.memory_space<hbm>> -> memref<1x1x1024xi32, #tpu.memory_space<hbm>>
        %dma_start3A_14 = tpu.memref_squeeze %dma_start3A_13 : memref<1x1x1024xi32, #tpu.memory_space<hbm>> -> memref<1024xi32, #tpu.memory_space<hbm>>
        tpu.enqueue_dma source(%dma_start3A_14 : memref<1024xi32, #tpu.memory_space<hbm>>) target(%arg10 : memref<1024xi32, #tpu.memory_space<vmem>>) target_semaphore(%run_scoped3A : memref<!tpu.dma_semaphore, #tpu.memory_space<semaphore_mem>>)
        %dma_wait3A = arith.constant 0 : i32
        %dma_wait3A_15 = tpu.memref_slice %arg5[%add3A, %scan3A_9, %dma_wait3A] : memref<32x10x1024xi32, #tpu.memory_space<hbm>> -> memref<1x1x1024xi32, #tpu.memory_space<hbm>>
        %dma_wait3A_16 = tpu.memref_squeeze %dma_wait3A_15 : memref<1x1x1024xi32, #tpu.memory_space<hbm>> -> memref<1024xi32, #tpu.memory_space<hbm>>
        %dma_wait3A_17 = arith.constant 0 : i32
        %dma_wait3A_18 = tpu.memref_slice %arg5[%add3A, %scan3A_9, %dma_wait3A_17] : memref<32x10x1024xi32, #tpu.memory_space<hbm>> -> memref<1x1x1024xi32, #tpu.memory_space<hbm>>
        %dma_wait3A_19 = tpu.memref_squeeze %dma_wait3A_18 : memref<1x1x1024xi32, #tpu.memory_space<hbm>> -> memref<1024xi32, #tpu.memory_space<hbm>>
        tpu.wait_dma2 semaphore(%run_scoped3A : memref<!tpu.dma_semaphore, #tpu.memory_space<semaphore_mem>>) src(%dma_wait3A_19 : memref<1024xi32, #tpu.memory_space<hbm>>) dst(%arg10 : memref<1024xi32, #tpu.memory_space<vmem>>)
        tpu.yield
      }) : () -> ()
      "tpu.region"() ({
        %run_scoped3A = tpu.sem_alloc : memref<!tpu.dma_semaphore, #tpu.memory_space<semaphore_mem>>
        %dma_start3A = arith.constant 0 : i32
        %dma_start3A_10 = arith.constant 0 : i32
        %dma_start3A_11 = tpu.memref_slice %arg7[%dma_start3A, %dma_start3A_10] : memref<10240x64xbf16, #tpu.memory_space<vmem_shared>> -> memref<10240x64xbf16, #tpu.memory_space<vmem_shared>>
        tpu.enqueue_indirect_dma source(%dma_start3A_11 : memref<10240x64xbf16, #tpu.memory_space<vmem_shared>>) target(%arg11 : memref<1024x64xbf16, #tpu.memory_space<vmem>>) offsets(%arg9 : memref<1024xi32, #tpu.memory_space<vmem>>) semaphore(%run_scoped3A : memref<!tpu.dma_semaphore, #tpu.memory_space<semaphore_mem>>)
        %dma_wait3A = arith.constant 0 : i32
        %dma_wait3A_12 = arith.constant 0 : i32
        %dma_wait3A_13 = tpu.memref_slice %arg7[%dma_wait3A, %dma_wait3A_12] : memref<10240x64xbf16, #tpu.memory_space<vmem_shared>> -> memref<10240x64xbf16, #tpu.memory_space<vmem_shared>>
        tpu.wait_indirect_dma semaphore(%run_scoped3A : memref<!tpu.dma_semaphore, #tpu.memory_space<semaphore_mem>>) src(%dma_wait3A_13 : memref<10240x64xbf16, #tpu.memory_space<vmem_shared>>) dst(%arg11 : memref<1024x64xbf16, #tpu.memory_space<vmem>>)
        tpu.yield
      }) : () -> ()
      "tpu.region"() ({
        %run_scoped3A = tpu.sem_alloc : memref<!tpu.dma_semaphore, #tpu.memory_space<semaphore_mem>>
        %dma_start3A = arith.constant 0 : i32
        %dma_start3A_10 = arith.constant 0 : i32
        %dma_start3A_11 = tpu.memref_slice %arg8[%dma_start3A, %dma_start3A_10] : memref<10240x64xbf16, #tpu.memory_space<vmem_shared>> -> memref<10240x64xbf16, #tpu.memory_space<vmem_shared>>
        tpu.enqueue_indirect_dma source(%arg11 : memref<1024x64xbf16, #tpu.memory_space<vmem>>) target(%dma_start3A_11 : memref<10240x64xbf16, #tpu.memory_space<vmem_shared>>) offsets(%arg10 : memref<1024xi32, #tpu.memory_space<vmem>>) semaphore(%run_scoped3A : memref<!tpu.dma_semaphore, #tpu.memory_space<semaphore_mem>>) {add = true}
        %dma_wait3A = arith.constant 0 : i32
        %dma_wait3A_12 = arith.constant 0 : i32
        %dma_wait3A_13 = tpu.memref_slice %arg8[%dma_wait3A, %dma_wait3A_12] : memref<10240x64xbf16, #tpu.memory_space<vmem_shared>> -> memref<10240x64xbf16, #tpu.memory_space<vmem_shared>>
        tpu.wait_indirect_dma semaphore(%run_scoped3A : memref<!tpu.dma_semaphore, #tpu.memory_space<semaphore_mem>>) src(%arg11 : memref<1024x64xbf16, #tpu.memory_space<vmem>>) dst(%dma_wait3A_13 : memref<10240x64xbf16, #tpu.memory_space<vmem_shared>>)
        tpu.yield
      }) : () -> ()
    }
    %scan3A_7 = arith.constant 10 : i32
    %barrier3A_8 = arith.constant 0 : index
    tpu.barrier barrier_id(%barrier3A_8)
    "tpu.region"() ({
      %run_scoped3A = tpu.sem_alloc : memref<!tpu.dma_semaphore, #tpu.memory_space<semaphore_mem>>
      %dma_start3A = arith.constant 0 : i32
      %dma_start3A_9 = tpu.memref_slice %arg6[%arg0, %mul3A_2, %dma_start3A] : memref<2x10240x64xbf16, #tpu.memory_space<hbm>> -> memref<1x640x64xbf16, #tpu.memory_space<hbm>>
      %dma_start3A_10 = tpu.memref_squeeze %dma_start3A_9 : memref<1x640x64xbf16, #tpu.memory_space<hbm>> -> memref<640x64xbf16, #tpu.memory_space<hbm>>
      %dma_start3A_11 = arith.constant 0 : i32
      %dma_start3A_12 = tpu.memref_slice %arg8[%mul3A_2, %dma_start3A_11] : memref<10240x64xbf16, #tpu.memory_space<vmem_shared>> -> memref<640x64xbf16, #tpu.memory_space<vmem_shared>>
      tpu.enqueue_dma source(%dma_start3A_12 : memref<640x64xbf16, #tpu.memory_space<vmem_shared>>) target(%dma_start3A_10 : memref<640x64xbf16, #tpu.memory_space<hbm>>) target_semaphore(%run_scoped3A : memref<!tpu.dma_semaphore, #tpu.memory_space<semaphore_mem>>)
      %dma_wait3A = arith.constant 0 : i32
      %dma_wait3A_13 = tpu.memref_slice %arg6[%arg0, %mul3A_2, %dma_wait3A] : memref<2x10240x64xbf16, #tpu.memory_space<hbm>> -> memref<1x640x64xbf16, #tpu.memory_space<hbm>>
      %dma_wait3A_14 = tpu.memref_squeeze %dma_wait3A_13 : memref<1x640x64xbf16, #tpu.memory_space<hbm>> -> memref<640x64xbf16, #tpu.memory_space<hbm>>
      %dma_wait3A_15 = arith.constant 0 : i32
      %dma_wait3A_16 = tpu.memref_slice %arg8[%mul3A_2, %dma_wait3A_15] : memref<10240x64xbf16, #tpu.memory_space<vmem_shared>> -> memref<640x64xbf16, #tpu.memory_space<vmem_shared>>
      tpu.wait_dma2 semaphore(%run_scoped3A : memref<!tpu.dma_semaphore, #tpu.memory_space<semaphore_mem>>) src(%dma_wait3A_16 : memref<640x64xbf16, #tpu.memory_space<vmem_shared>>) dst(%dma_wait3A_14 : memref<640x64xbf16, #tpu.memory_space<hbm>>)
      tpu.yield
    }) : () -> ()
    return
  }
}

#map = affine_map<(d0, d1) -> (0, 0)>
#map1 = affine_map<(d0, d1) -> (0, 0, 0)>
module attributes {stable_mosaic.version = 14 : i64} {
  func.func @_sc_deg_body(%arg0: i32, %arg1: i32, %arg2: memref<1024x16xf32, #tpu.memory_space<hbm>>, %arg3: memref<10240x16xf32, #tpu.memory_space<hbm>>, %arg4: memref<32x10x1024xi32, #tpu.memory_space<hbm>>, %arg5: memref<2x10240x16xf32, #tpu.memory_space<hbm>>, %arg6: memref<10240x16xf32, #tpu.memory_space<vmem_shared>>, %arg7: memref<1024xi32, #tpu.memory_space<vmem>>, %arg8: memref<1024x16xf32, #tpu.memory_space<vmem>>) attributes {dimension_semantics = [#tpu.dimension_semantics<core_parallel>, #tpu.dimension_semantics<subcore_parallel>], iteration_bounds = array<i64: 2, 16>, scalar_prefetch = 0 : i64, scratch_operands = 3 : i64, tpu.core_type = #tpu.core_type<sc_vector_subcore>, window_params = [{transform_indices = #map}, {transform_indices = #map}, {transform_indices = #map1}, {transform_indices = #map1}]} {
    %mul3A = arith.constant 16 : i32
    %mul3A_0 = arith.muli %arg0, %mul3A : i32
    %add3A = arith.addi %mul3A_0, %arg1 : i32
    %mul3A_1 = arith.constant 640 : i32
    %mul3A_2 = arith.muli %arg1, %mul3A_1 : i32
    "tpu.region"() ({
      %run_scoped3A = tpu.sem_alloc : memref<!tpu.dma_semaphore, #tpu.memory_space<semaphore_mem>>
      %dma_start3A = arith.constant 0 : i32
      %dma_start3A_9 = tpu.memref_slice %arg6[%mul3A_2, %dma_start3A] : memref<10240x16xf32, #tpu.memory_space<vmem_shared>> -> memref<640x16xf32, #tpu.memory_space<vmem_shared>>
      %dma_start3A_10 = arith.constant 0 : i32
      %dma_start3A_11 = tpu.memref_slice %arg3[%mul3A_2, %dma_start3A_10] : memref<10240x16xf32, #tpu.memory_space<hbm>> -> memref<640x16xf32, #tpu.memory_space<hbm>>
      tpu.enqueue_dma source(%dma_start3A_11 : memref<640x16xf32, #tpu.memory_space<hbm>>) target(%dma_start3A_9 : memref<640x16xf32, #tpu.memory_space<vmem_shared>>) target_semaphore(%run_scoped3A : memref<!tpu.dma_semaphore, #tpu.memory_space<semaphore_mem>>)
      %dma_wait3A = arith.constant 0 : i32
      %dma_wait3A_12 = tpu.memref_slice %arg6[%mul3A_2, %dma_wait3A] : memref<10240x16xf32, #tpu.memory_space<vmem_shared>> -> memref<640x16xf32, #tpu.memory_space<vmem_shared>>
      %dma_wait3A_13 = arith.constant 0 : i32
      %dma_wait3A_14 = tpu.memref_slice %arg3[%mul3A_2, %dma_wait3A_13] : memref<10240x16xf32, #tpu.memory_space<hbm>> -> memref<640x16xf32, #tpu.memory_space<hbm>>
      tpu.wait_dma2 semaphore(%run_scoped3A : memref<!tpu.dma_semaphore, #tpu.memory_space<semaphore_mem>>) src(%dma_wait3A_14 : memref<640x16xf32, #tpu.memory_space<hbm>>) dst(%dma_wait3A_12 : memref<640x16xf32, #tpu.memory_space<vmem_shared>>)
      tpu.yield
    }) : () -> ()
    "tpu.region"() ({
      %run_scoped3A = tpu.sem_alloc : memref<!tpu.dma_semaphore, #tpu.memory_space<semaphore_mem>>
      tpu.enqueue_dma source(%arg2 : memref<1024x16xf32, #tpu.memory_space<hbm>>) target(%arg8 : memref<1024x16xf32, #tpu.memory_space<vmem>>) target_semaphore(%run_scoped3A : memref<!tpu.dma_semaphore, #tpu.memory_space<semaphore_mem>>)
      tpu.wait_dma2 semaphore(%run_scoped3A : memref<!tpu.dma_semaphore, #tpu.memory_space<semaphore_mem>>) src(%arg2 : memref<1024x16xf32, #tpu.memory_space<hbm>>) dst(%arg8 : memref<1024x16xf32, #tpu.memory_space<vmem>>)
      tpu.yield
    }) : () -> ()
    %barrier3A = arith.constant 0 : index
    tpu.barrier barrier_id(%barrier3A)
    %scan3A = arith.constant 0 : i32
    %scan3A_3 = arith.constant 0 : i32
    %scan3A_4 = arith.constant 10 : i32
    %scan3A_5 = arith.addi %scan3A_3, %scan3A_4 : i32
    %scan3A_6 = arith.constant 1 : i32
    scf.for %scan3A_9 = %scan3A_3 to %scan3A_5 step %scan3A_6  : i32 {
      "tpu.region"() ({
        %run_scoped3A = tpu.sem_alloc : memref<!tpu.dma_semaphore, #tpu.memory_space<semaphore_mem>>
        %dma_start3A = arith.constant 0 : i32
        %dma_start3A_10 = tpu.memref_slice %arg4[%add3A, %scan3A_9, %dma_start3A] : memref<32x10x1024xi32, #tpu.memory_space<hbm>> -> memref<1x1x1024xi32, #tpu.memory_space<hbm>>
        %dma_start3A_11 = tpu.memref_squeeze %dma_start3A_10 : memref<1x1x1024xi32, #tpu.memory_space<hbm>> -> memref<1024xi32, #tpu.memory_space<hbm>>
        %dma_start3A_12 = arith.constant 0 : i32
        %dma_start3A_13 = tpu.memref_slice %arg4[%add3A, %scan3A_9, %dma_start3A_12] : memref<32x10x1024xi32, #tpu.memory_space<hbm>> -> memref<1x1x1024xi32, #tpu.memory_space<hbm>>
        %dma_start3A_14 = tpu.memref_squeeze %dma_start3A_13 : memref<1x1x1024xi32, #tpu.memory_space<hbm>> -> memref<1024xi32, #tpu.memory_space<hbm>>
        tpu.enqueue_dma source(%dma_start3A_14 : memref<1024xi32, #tpu.memory_space<hbm>>) target(%arg7 : memref<1024xi32, #tpu.memory_space<vmem>>) target_semaphore(%run_scoped3A : memref<!tpu.dma_semaphore, #tpu.memory_space<semaphore_mem>>)
        %dma_wait3A = arith.constant 0 : i32
        %dma_wait3A_15 = tpu.memref_slice %arg4[%add3A, %scan3A_9, %dma_wait3A] : memref<32x10x1024xi32, #tpu.memory_space<hbm>> -> memref<1x1x1024xi32, #tpu.memory_space<hbm>>
        %dma_wait3A_16 = tpu.memref_squeeze %dma_wait3A_15 : memref<1x1x1024xi32, #tpu.memory_space<hbm>> -> memref<1024xi32, #tpu.memory_space<hbm>>
        %dma_wait3A_17 = arith.constant 0 : i32
        %dma_wait3A_18 = tpu.memref_slice %arg4[%add3A, %scan3A_9, %dma_wait3A_17] : memref<32x10x1024xi32, #tpu.memory_space<hbm>> -> memref<1x1x1024xi32, #tpu.memory_space<hbm>>
        %dma_wait3A_19 = tpu.memref_squeeze %dma_wait3A_18 : memref<1x1x1024xi32, #tpu.memory_space<hbm>> -> memref<1024xi32, #tpu.memory_space<hbm>>
        tpu.wait_dma2 semaphore(%run_scoped3A : memref<!tpu.dma_semaphore, #tpu.memory_space<semaphore_mem>>) src(%dma_wait3A_19 : memref<1024xi32, #tpu.memory_space<hbm>>) dst(%arg7 : memref<1024xi32, #tpu.memory_space<vmem>>)
        tpu.yield
      }) : () -> ()
      "tpu.region"() ({
        %run_scoped3A = tpu.sem_alloc : memref<!tpu.dma_semaphore, #tpu.memory_space<semaphore_mem>>
        %dma_start3A = arith.constant 0 : i32
        %dma_start3A_10 = arith.constant 0 : i32
        %dma_start3A_11 = tpu.memref_slice %arg6[%dma_start3A, %dma_start3A_10] : memref<10240x16xf32, #tpu.memory_space<vmem_shared>> -> memref<10240x16xf32, #tpu.memory_space<vmem_shared>>
        tpu.enqueue_indirect_dma source(%arg8 : memref<1024x16xf32, #tpu.memory_space<vmem>>) target(%dma_start3A_11 : memref<10240x16xf32, #tpu.memory_space<vmem_shared>>) offsets(%arg7 : memref<1024xi32, #tpu.memory_space<vmem>>) semaphore(%run_scoped3A : memref<!tpu.dma_semaphore, #tpu.memory_space<semaphore_mem>>) {add = true}
        %dma_wait3A = arith.constant 0 : i32
        %dma_wait3A_12 = arith.constant 0 : i32
        %dma_wait3A_13 = tpu.memref_slice %arg6[%dma_wait3A, %dma_wait3A_12] : memref<10240x16xf32, #tpu.memory_space<vmem_shared>> -> memref<10240x16xf32, #tpu.memory_space<vmem_shared>>
        tpu.wait_indirect_dma semaphore(%run_scoped3A : memref<!tpu.dma_semaphore, #tpu.memory_space<semaphore_mem>>) src(%arg8 : memref<1024x16xf32, #tpu.memory_space<vmem>>) dst(%dma_wait3A_13 : memref<10240x16xf32, #tpu.memory_space<vmem_shared>>)
        tpu.yield
      }) : () -> ()
    }
    %scan3A_7 = arith.constant 10 : i32
    %barrier3A_8 = arith.constant 0 : index
    tpu.barrier barrier_id(%barrier3A_8)
    "tpu.region"() ({
      %run_scoped3A = tpu.sem_alloc : memref<!tpu.dma_semaphore, #tpu.memory_space<semaphore_mem>>
      %dma_start3A = arith.constant 0 : i32
      %dma_start3A_9 = tpu.memref_slice %arg5[%arg0, %mul3A_2, %dma_start3A] : memref<2x10240x16xf32, #tpu.memory_space<hbm>> -> memref<1x640x16xf32, #tpu.memory_space<hbm>>
      %dma_start3A_10 = tpu.memref_squeeze %dma_start3A_9 : memref<1x640x16xf32, #tpu.memory_space<hbm>> -> memref<640x16xf32, #tpu.memory_space<hbm>>
      %dma_start3A_11 = arith.constant 0 : i32
      %dma_start3A_12 = tpu.memref_slice %arg6[%mul3A_2, %dma_start3A_11] : memref<10240x16xf32, #tpu.memory_space<vmem_shared>> -> memref<640x16xf32, #tpu.memory_space<vmem_shared>>
      tpu.enqueue_dma source(%dma_start3A_12 : memref<640x16xf32, #tpu.memory_space<vmem_shared>>) target(%dma_start3A_10 : memref<640x16xf32, #tpu.memory_space<hbm>>) target_semaphore(%run_scoped3A : memref<!tpu.dma_semaphore, #tpu.memory_space<semaphore_mem>>)
      %dma_wait3A = arith.constant 0 : i32
      %dma_wait3A_13 = tpu.memref_slice %arg5[%arg0, %mul3A_2, %dma_wait3A] : memref<2x10240x16xf32, #tpu.memory_space<hbm>> -> memref<1x640x16xf32, #tpu.memory_space<hbm>>
      %dma_wait3A_14 = tpu.memref_squeeze %dma_wait3A_13 : memref<1x640x16xf32, #tpu.memory_space<hbm>> -> memref<640x16xf32, #tpu.memory_space<hbm>>
      %dma_wait3A_15 = arith.constant 0 : i32
      %dma_wait3A_16 = tpu.memref_slice %arg6[%mul3A_2, %dma_wait3A_15] : memref<10240x16xf32, #tpu.memory_space<vmem_shared>> -> memref<640x16xf32, #tpu.memory_space<vmem_shared>>
      tpu.wait_dma2 semaphore(%run_scoped3A : memref<!tpu.dma_semaphore, #tpu.memory_space<semaphore_mem>>) src(%dma_wait3A_16 : memref<640x16xf32, #tpu.memory_space<vmem_shared>>) dst(%dma_wait3A_14 : memref<640x16xf32, #tpu.memory_space<hbm>>)
      tpu.yield
    }) : () -> ()
    return
  }
}

#map = affine_map<(d0, d1) -> (0, 0)>
#map1 = affine_map<(d0, d1) -> (0, 0, 0)>
module attributes {stable_mosaic.version = 14 : i64} {
  func.func @_sc_agg_body(%arg0: i32, %arg1: i32, %arg2: memref<10240x64xbf16, #tpu.memory_space<hbm>>, %arg3: memref<10240x64xbf16, #tpu.memory_space<hbm>>, %arg4: memref<32x10x1024xi32, #tpu.memory_space<hbm>>, %arg5: memref<32x10x1024xi32, #tpu.memory_space<hbm>>, %arg6: memref<2x10240x64xbf16, #tpu.memory_space<hbm>>, %arg7: memref<10240x64xbf16, #tpu.memory_space<vmem_shared>>, %arg8: memref<10240x64xbf16, #tpu.memory_space<vmem_shared>>, %arg9: memref<1024xi32, #tpu.memory_space<vmem>>, %arg10: memref<1024xi32, #tpu.memory_space<vmem>>, %arg11: memref<1024x64xbf16, #tpu.memory_space<vmem>>) attributes {dimension_semantics = [#tpu.dimension_semantics<core_parallel>, #tpu.dimension_semantics<subcore_parallel>], iteration_bounds = array<i64: 2, 16>, scalar_prefetch = 0 : i64, scratch_operands = 5 : i64, tpu.core_type = #tpu.core_type<sc_vector_subcore>, window_params = [{transform_indices = #map}, {transform_indices = #map}, {transform_indices = #map1}, {transform_indices = #map1}, {transform_indices = #map1}]} {
    %mul3A = arith.constant 16 : i32
    %mul3A_0 = arith.muli %arg0, %mul3A : i32
    %add3A = arith.addi %mul3A_0, %arg1 : i32
    %mul3A_1 = arith.constant 640 : i32
    %mul3A_2 = arith.muli %arg1, %mul3A_1 : i32
    "tpu.region"() ({
      %run_scoped3A = tpu.sem_alloc : memref<!tpu.dma_semaphore, #tpu.memory_space<semaphore_mem>>
      %dma_start3A = arith.constant 0 : i32
      %dma_start3A_9 = tpu.memref_slice %arg7[%mul3A_2, %dma_start3A] : memref<10240x64xbf16, #tpu.memory_space<vmem_shared>> -> memref<640x64xbf16, #tpu.memory_space<vmem_shared>>
      %dma_start3A_10 = arith.constant 0 : i32
      %dma_start3A_11 = tpu.memref_slice %arg2[%mul3A_2, %dma_start3A_10] : memref<10240x64xbf16, #tpu.memory_space<hbm>> -> memref<640x64xbf16, #tpu.memory_space<hbm>>
      tpu.enqueue_dma source(%dma_start3A_11 : memref<640x64xbf16, #tpu.memory_space<hbm>>) target(%dma_start3A_9 : memref<640x64xbf16, #tpu.memory_space<vmem_shared>>) target_semaphore(%run_scoped3A : memref<!tpu.dma_semaphore, #tpu.memory_space<semaphore_mem>>)
      %dma_wait3A = arith.constant 0 : i32
      %dma_wait3A_12 = tpu.memref_slice %arg7[%mul3A_2, %dma_wait3A] : memref<10240x64xbf16, #tpu.memory_space<vmem_shared>> -> memref<640x64xbf16, #tpu.memory_space<vmem_shared>>
      %dma_wait3A_13 = arith.constant 0 : i32
      %dma_wait3A_14 = tpu.memref_slice %arg2[%mul3A_2, %dma_wait3A_13] : memref<10240x64xbf16, #tpu.memory_space<hbm>> -> memref<640x64xbf16, #tpu.memory_space<hbm>>
      tpu.wait_dma2 semaphore(%run_scoped3A : memref<!tpu.dma_semaphore, #tpu.memory_space<semaphore_mem>>) src(%dma_wait3A_14 : memref<640x64xbf16, #tpu.memory_space<hbm>>) dst(%dma_wait3A_12 : memref<640x64xbf16, #tpu.memory_space<vmem_shared>>)
      tpu.yield
    }) : () -> ()
    "tpu.region"() ({
      %run_scoped3A = tpu.sem_alloc : memref<!tpu.dma_semaphore, #tpu.memory_space<semaphore_mem>>
      %dma_start3A = arith.constant 0 : i32
      %dma_start3A_9 = tpu.memref_slice %arg8[%mul3A_2, %dma_start3A] : memref<10240x64xbf16, #tpu.memory_space<vmem_shared>> -> memref<640x64xbf16, #tpu.memory_space<vmem_shared>>
      %dma_start3A_10 = arith.constant 0 : i32
      %dma_start3A_11 = tpu.memref_slice %arg3[%mul3A_2, %dma_start3A_10] : memref<10240x64xbf16, #tpu.memory_space<hbm>> -> memref<640x64xbf16, #tpu.memory_space<hbm>>
      tpu.enqueue_dma source(%dma_start3A_11 : memref<640x64xbf16, #tpu.memory_space<hbm>>) target(%dma_start3A_9 : memref<640x64xbf16, #tpu.memory_space<vmem_shared>>) target_semaphore(%run_scoped3A : memref<!tpu.dma_semaphore, #tpu.memory_space<semaphore_mem>>)
      %dma_wait3A = arith.constant 0 : i32
      %dma_wait3A_12 = tpu.memref_slice %arg8[%mul3A_2, %dma_wait3A] : memref<10240x64xbf16, #tpu.memory_space<vmem_shared>> -> memref<640x64xbf16, #tpu.memory_space<vmem_shared>>
      %dma_wait3A_13 = arith.constant 0 : i32
      %dma_wait3A_14 = tpu.memref_slice %arg3[%mul3A_2, %dma_wait3A_13] : memref<10240x64xbf16, #tpu.memory_space<hbm>> -> memref<640x64xbf16, #tpu.memory_space<hbm>>
      tpu.wait_dma2 semaphore(%run_scoped3A : memref<!tpu.dma_semaphore, #tpu.memory_space<semaphore_mem>>) src(%dma_wait3A_14 : memref<640x64xbf16, #tpu.memory_space<hbm>>) dst(%dma_wait3A_12 : memref<640x64xbf16, #tpu.memory_space<vmem_shared>>)
      tpu.yield
    }) : () -> ()
    %barrier3A = arith.constant 0 : index
    tpu.barrier barrier_id(%barrier3A)
    %scan3A = arith.constant 0 : i32
    %scan3A_3 = arith.constant 0 : i32
    %scan3A_4 = arith.constant 10 : i32
    %scan3A_5 = arith.addi %scan3A_3, %scan3A_4 : i32
    %scan3A_6 = arith.constant 1 : i32
    scf.for %scan3A_9 = %scan3A_3 to %scan3A_5 step %scan3A_6  : i32 {
      "tpu.region"() ({
        %run_scoped3A = tpu.sem_alloc : memref<!tpu.dma_semaphore, #tpu.memory_space<semaphore_mem>>
        %dma_start3A = arith.constant 0 : i32
        %dma_start3A_10 = tpu.memref_slice %arg4[%add3A, %scan3A_9, %dma_start3A] : memref<32x10x1024xi32, #tpu.memory_space<hbm>> -> memref<1x1x1024xi32, #tpu.memory_space<hbm>>
        %dma_start3A_11 = tpu.memref_squeeze %dma_start3A_10 : memref<1x1x1024xi32, #tpu.memory_space<hbm>> -> memref<1024xi32, #tpu.memory_space<hbm>>
        %dma_start3A_12 = arith.constant 0 : i32
        %dma_start3A_13 = tpu.memref_slice %arg4[%add3A, %scan3A_9, %dma_start3A_12] : memref<32x10x1024xi32, #tpu.memory_space<hbm>> -> memref<1x1x1024xi32, #tpu.memory_space<hbm>>
        %dma_start3A_14 = tpu.memref_squeeze %dma_start3A_13 : memref<1x1x1024xi32, #tpu.memory_space<hbm>> -> memref<1024xi32, #tpu.memory_space<hbm>>
        tpu.enqueue_dma source(%dma_start3A_14 : memref<1024xi32, #tpu.memory_space<hbm>>) target(%arg9 : memref<1024xi32, #tpu.memory_space<vmem>>) target_semaphore(%run_scoped3A : memref<!tpu.dma_semaphore, #tpu.memory_space<semaphore_mem>>)
        %dma_wait3A = arith.constant 0 : i32
        %dma_wait3A_15 = tpu.memref_slice %arg4[%add3A, %scan3A_9, %dma_wait3A] : memref<32x10x1024xi32, #tpu.memory_space<hbm>> -> memref<1x1x1024xi32, #tpu.memory_space<hbm>>
        %dma_wait3A_16 = tpu.memref_squeeze %dma_wait3A_15 : memref<1x1x1024xi32, #tpu.memory_space<hbm>> -> memref<1024xi32, #tpu.memory_space<hbm>>
        %dma_wait3A_17 = arith.constant 0 : i32
        %dma_wait3A_18 = tpu.memref_slice %arg4[%add3A, %scan3A_9, %dma_wait3A_17] : memref<32x10x1024xi32, #tpu.memory_space<hbm>> -> memref<1x1x1024xi32, #tpu.memory_space<hbm>>
        %dma_wait3A_19 = tpu.memref_squeeze %dma_wait3A_18 : memref<1x1x1024xi32, #tpu.memory_space<hbm>> -> memref<1024xi32, #tpu.memory_space<hbm>>
        tpu.wait_dma2 semaphore(%run_scoped3A : memref<!tpu.dma_semaphore, #tpu.memory_space<semaphore_mem>>) src(%dma_wait3A_19 : memref<1024xi32, #tpu.memory_space<hbm>>) dst(%arg9 : memref<1024xi32, #tpu.memory_space<vmem>>)
        tpu.yield
      }) : () -> ()
      "tpu.region"() ({
        %run_scoped3A = tpu.sem_alloc : memref<!tpu.dma_semaphore, #tpu.memory_space<semaphore_mem>>
        %dma_start3A = arith.constant 0 : i32
        %dma_start3A_10 = tpu.memref_slice %arg5[%add3A, %scan3A_9, %dma_start3A] : memref<32x10x1024xi32, #tpu.memory_space<hbm>> -> memref<1x1x1024xi32, #tpu.memory_space<hbm>>
        %dma_start3A_11 = tpu.memref_squeeze %dma_start3A_10 : memref<1x1x1024xi32, #tpu.memory_space<hbm>> -> memref<1024xi32, #tpu.memory_space<hbm>>
        %dma_start3A_12 = arith.constant 0 : i32
        %dma_start3A_13 = tpu.memref_slice %arg5[%add3A, %scan3A_9, %dma_start3A_12] : memref<32x10x1024xi32, #tpu.memory_space<hbm>> -> memref<1x1x1024xi32, #tpu.memory_space<hbm>>
        %dma_start3A_14 = tpu.memref_squeeze %dma_start3A_13 : memref<1x1x1024xi32, #tpu.memory_space<hbm>> -> memref<1024xi32, #tpu.memory_space<hbm>>
        tpu.enqueue_dma source(%dma_start3A_14 : memref<1024xi32, #tpu.memory_space<hbm>>) target(%arg10 : memref<1024xi32, #tpu.memory_space<vmem>>) target_semaphore(%run_scoped3A : memref<!tpu.dma_semaphore, #tpu.memory_space<semaphore_mem>>)
        %dma_wait3A = arith.constant 0 : i32
        %dma_wait3A_15 = tpu.memref_slice %arg5[%add3A, %scan3A_9, %dma_wait3A] : memref<32x10x1024xi32, #tpu.memory_space<hbm>> -> memref<1x1x1024xi32, #tpu.memory_space<hbm>>
        %dma_wait3A_16 = tpu.memref_squeeze %dma_wait3A_15 : memref<1x1x1024xi32, #tpu.memory_space<hbm>> -> memref<1024xi32, #tpu.memory_space<hbm>>
        %dma_wait3A_17 = arith.constant 0 : i32
        %dma_wait3A_18 = tpu.memref_slice %arg5[%add3A, %scan3A_9, %dma_wait3A_17] : memref<32x10x1024xi32, #tpu.memory_space<hbm>> -> memref<1x1x1024xi32, #tpu.memory_space<hbm>>
        %dma_wait3A_19 = tpu.memref_squeeze %dma_wait3A_18 : memref<1x1x1024xi32, #tpu.memory_space<hbm>> -> memref<1024xi32, #tpu.memory_space<hbm>>
        tpu.wait_dma2 semaphore(%run_scoped3A : memref<!tpu.dma_semaphore, #tpu.memory_space<semaphore_mem>>) src(%dma_wait3A_19 : memref<1024xi32, #tpu.memory_space<hbm>>) dst(%arg10 : memref<1024xi32, #tpu.memory_space<vmem>>)
        tpu.yield
      }) : () -> ()
      "tpu.region"() ({
        %run_scoped3A = tpu.sem_alloc : memref<!tpu.dma_semaphore, #tpu.memory_space<semaphore_mem>>
        %dma_start3A = arith.constant 0 : i32
        %dma_start3A_10 = arith.constant 0 : i32
        %dma_start3A_11 = tpu.memref_slice %arg7[%dma_start3A, %dma_start3A_10] : memref<10240x64xbf16, #tpu.memory_space<vmem_shared>> -> memref<10240x64xbf16, #tpu.memory_space<vmem_shared>>
        tpu.enqueue_indirect_dma source(%dma_start3A_11 : memref<10240x64xbf16, #tpu.memory_space<vmem_shared>>) target(%arg11 : memref<1024x64xbf16, #tpu.memory_space<vmem>>) offsets(%arg9 : memref<1024xi32, #tpu.memory_space<vmem>>) semaphore(%run_scoped3A : memref<!tpu.dma_semaphore, #tpu.memory_space<semaphore_mem>>)
        %dma_wait3A = arith.constant 0 : i32
        %dma_wait3A_12 = arith.constant 0 : i32
        %dma_wait3A_13 = tpu.memref_slice %arg7[%dma_wait3A, %dma_wait3A_12] : memref<10240x64xbf16, #tpu.memory_space<vmem_shared>> -> memref<10240x64xbf16, #tpu.memory_space<vmem_shared>>
        tpu.wait_indirect_dma semaphore(%run_scoped3A : memref<!tpu.dma_semaphore, #tpu.memory_space<semaphore_mem>>) src(%dma_wait3A_13 : memref<10240x64xbf16, #tpu.memory_space<vmem_shared>>) dst(%arg11 : memref<1024x64xbf16, #tpu.memory_space<vmem>>)
        tpu.yield
      }) : () -> ()
      "tpu.region"() ({
        %run_scoped3A = tpu.sem_alloc : memref<!tpu.dma_semaphore, #tpu.memory_space<semaphore_mem>>
        %dma_start3A = arith.constant 0 : i32
        %dma_start3A_10 = arith.constant 0 : i32
        %dma_start3A_11 = tpu.memref_slice %arg8[%dma_start3A, %dma_start3A_10] : memref<10240x64xbf16, #tpu.memory_space<vmem_shared>> -> memref<10240x64xbf16, #tpu.memory_space<vmem_shared>>
        tpu.enqueue_indirect_dma source(%arg11 : memref<1024x64xbf16, #tpu.memory_space<vmem>>) target(%dma_start3A_11 : memref<10240x64xbf16, #tpu.memory_space<vmem_shared>>) offsets(%arg10 : memref<1024xi32, #tpu.memory_space<vmem>>) semaphore(%run_scoped3A : memref<!tpu.dma_semaphore, #tpu.memory_space<semaphore_mem>>) {add = true}
        %dma_wait3A = arith.constant 0 : i32
        %dma_wait3A_12 = arith.constant 0 : i32
        %dma_wait3A_13 = tpu.memref_slice %arg8[%dma_wait3A, %dma_wait3A_12] : memref<10240x64xbf16, #tpu.memory_space<vmem_shared>> -> memref<10240x64xbf16, #tpu.memory_space<vmem_shared>>
        tpu.wait_indirect_dma semaphore(%run_scoped3A : memref<!tpu.dma_semaphore, #tpu.memory_space<semaphore_mem>>) src(%arg11 : memref<1024x64xbf16, #tpu.memory_space<vmem>>) dst(%dma_wait3A_13 : memref<10240x64xbf16, #tpu.memory_space<vmem_shared>>)
        tpu.yield
      }) : () -> ()
    }
    %scan3A_7 = arith.constant 10 : i32
    %barrier3A_8 = arith.constant 0 : index
    tpu.barrier barrier_id(%barrier3A_8)
    "tpu.region"() ({
      %run_scoped3A = tpu.sem_alloc : memref<!tpu.dma_semaphore, #tpu.memory_space<semaphore_mem>>
      %dma_start3A = arith.constant 0 : i32
      %dma_start3A_9 = tpu.memref_slice %arg6[%arg0, %mul3A_2, %dma_start3A] : memref<2x10240x64xbf16, #tpu.memory_space<hbm>> -> memref<1x640x64xbf16, #tpu.memory_space<hbm>>
      %dma_start3A_10 = tpu.memref_squeeze %dma_start3A_9 : memref<1x640x64xbf16, #tpu.memory_space<hbm>> -> memref<640x64xbf16, #tpu.memory_space<hbm>>
      %dma_start3A_11 = arith.constant 0 : i32
      %dma_start3A_12 = tpu.memref_slice %arg8[%mul3A_2, %dma_start3A_11] : memref<10240x64xbf16, #tpu.memory_space<vmem_shared>> -> memref<640x64xbf16, #tpu.memory_space<vmem_shared>>
      tpu.enqueue_dma source(%dma_start3A_12 : memref<640x64xbf16, #tpu.memory_space<vmem_shared>>) target(%dma_start3A_10 : memref<640x64xbf16, #tpu.memory_space<hbm>>) target_semaphore(%run_scoped3A : memref<!tpu.dma_semaphore, #tpu.memory_space<semaphore_mem>>)
      %dma_wait3A = arith.constant 0 : i32
      %dma_wait3A_13 = tpu.memref_slice %arg6[%arg0, %mul3A_2, %dma_wait3A] : memref<2x10240x64xbf16, #tpu.memory_space<hbm>> -> memref<1x640x64xbf16, #tpu.memory_space<hbm>>
      %dma_wait3A_14 = tpu.memref_squeeze %dma_wait3A_13 : memref<1x640x64xbf16, #tpu.memory_space<hbm>> -> memref<640x64xbf16, #tpu.memory_space<hbm>>
      %dma_wait3A_15 = arith.constant 0 : i32
      %dma_wait3A_16 = tpu.memref_slice %arg8[%mul3A_2, %dma_wait3A_15] : memref<10240x64xbf16, #tpu.memory_space<vmem_shared>> -> memref<640x64xbf16, #tpu.memory_space<vmem_shared>>
      tpu.wait_dma2 semaphore(%run_scoped3A : memref<!tpu.dma_semaphore, #tpu.memory_space<semaphore_mem>>) src(%dma_wait3A_16 : memref<640x64xbf16, #tpu.memory_space<vmem_shared>>) dst(%dma_wait3A_14 : memref<640x64xbf16, #tpu.memory_space<hbm>>)
      tpu.yield
    }) : () -> ()
    return
  }
}

#map = affine_map<(d0, d1) -> (0, 0)>
#map1 = affine_map<(d0, d1) -> (0, 0, 0)>
module attributes {stable_mosaic.version = 14 : i64} {
  func.func @_sc_agg_body(%arg0: i32, %arg1: i32, %arg2: memref<10240x64xbf16, #tpu.memory_space<hbm>>, %arg3: memref<10240x64xbf16, #tpu.memory_space<hbm>>, %arg4: memref<32x10x1024xi32, #tpu.memory_space<hbm>>, %arg5: memref<32x10x1024xi32, #tpu.memory_space<hbm>>, %arg6: memref<2x10240x64xbf16, #tpu.memory_space<hbm>>, %arg7: memref<10240x64xbf16, #tpu.memory_space<vmem_shared>>, %arg8: memref<10240x64xbf16, #tpu.memory_space<vmem_shared>>, %arg9: memref<1024xi32, #tpu.memory_space<vmem>>, %arg10: memref<1024xi32, #tpu.memory_space<vmem>>, %arg11: memref<1024x64xbf16, #tpu.memory_space<vmem>>) attributes {dimension_semantics = [#tpu.dimension_semantics<core_parallel>, #tpu.dimension_semantics<subcore_parallel>], iteration_bounds = array<i64: 2, 16>, scalar_prefetch = 0 : i64, scratch_operands = 5 : i64, tpu.core_type = #tpu.core_type<sc_vector_subcore>, window_params = [{transform_indices = #map}, {transform_indices = #map}, {transform_indices = #map1}, {transform_indices = #map1}, {transform_indices = #map1}]} {
    %mul3A = arith.constant 16 : i32
    %mul3A_0 = arith.muli %arg0, %mul3A : i32
    %add3A = arith.addi %mul3A_0, %arg1 : i32
    %mul3A_1 = arith.constant 640 : i32
    %mul3A_2 = arith.muli %arg1, %mul3A_1 : i32
    "tpu.region"() ({
      %run_scoped3A = tpu.sem_alloc : memref<!tpu.dma_semaphore, #tpu.memory_space<semaphore_mem>>
      %dma_start3A = arith.constant 0 : i32
      %dma_start3A_9 = tpu.memref_slice %arg7[%mul3A_2, %dma_start3A] : memref<10240x64xbf16, #tpu.memory_space<vmem_shared>> -> memref<640x64xbf16, #tpu.memory_space<vmem_shared>>
      %dma_start3A_10 = arith.constant 0 : i32
      %dma_start3A_11 = tpu.memref_slice %arg2[%mul3A_2, %dma_start3A_10] : memref<10240x64xbf16, #tpu.memory_space<hbm>> -> memref<640x64xbf16, #tpu.memory_space<hbm>>
      tpu.enqueue_dma source(%dma_start3A_11 : memref<640x64xbf16, #tpu.memory_space<hbm>>) target(%dma_start3A_9 : memref<640x64xbf16, #tpu.memory_space<vmem_shared>>) target_semaphore(%run_scoped3A : memref<!tpu.dma_semaphore, #tpu.memory_space<semaphore_mem>>)
      %dma_wait3A = arith.constant 0 : i32
      %dma_wait3A_12 = tpu.memref_slice %arg7[%mul3A_2, %dma_wait3A] : memref<10240x64xbf16, #tpu.memory_space<vmem_shared>> -> memref<640x64xbf16, #tpu.memory_space<vmem_shared>>
      %dma_wait3A_13 = arith.constant 0 : i32
      %dma_wait3A_14 = tpu.memref_slice %arg2[%mul3A_2, %dma_wait3A_13] : memref<10240x64xbf16, #tpu.memory_space<hbm>> -> memref<640x64xbf16, #tpu.memory_space<hbm>>
      tpu.wait_dma2 semaphore(%run_scoped3A : memref<!tpu.dma_semaphore, #tpu.memory_space<semaphore_mem>>) src(%dma_wait3A_14 : memref<640x64xbf16, #tpu.memory_space<hbm>>) dst(%dma_wait3A_12 : memref<640x64xbf16, #tpu.memory_space<vmem_shared>>)
      tpu.yield
    }) : () -> ()
    "tpu.region"() ({
      %run_scoped3A = tpu.sem_alloc : memref<!tpu.dma_semaphore, #tpu.memory_space<semaphore_mem>>
      %dma_start3A = arith.constant 0 : i32
      %dma_start3A_9 = tpu.memref_slice %arg8[%mul3A_2, %dma_start3A] : memref<10240x64xbf16, #tpu.memory_space<vmem_shared>> -> memref<640x64xbf16, #tpu.memory_space<vmem_shared>>
      %dma_start3A_10 = arith.constant 0 : i32
      %dma_start3A_11 = tpu.memref_slice %arg3[%mul3A_2, %dma_start3A_10] : memref<10240x64xbf16, #tpu.memory_space<hbm>> -> memref<640x64xbf16, #tpu.memory_space<hbm>>
      tpu.enqueue_dma source(%dma_start3A_11 : memref<640x64xbf16, #tpu.memory_space<hbm>>) target(%dma_start3A_9 : memref<640x64xbf16, #tpu.memory_space<vmem_shared>>) target_semaphore(%run_scoped3A : memref<!tpu.dma_semaphore, #tpu.memory_space<semaphore_mem>>)
      %dma_wait3A = arith.constant 0 : i32
      %dma_wait3A_12 = tpu.memref_slice %arg8[%mul3A_2, %dma_wait3A] : memref<10240x64xbf16, #tpu.memory_space<vmem_shared>> -> memref<640x64xbf16, #tpu.memory_space<vmem_shared>>
      %dma_wait3A_13 = arith.constant 0 : i32
      %dma_wait3A_14 = tpu.memref_slice %arg3[%mul3A_2, %dma_wait3A_13] : memref<10240x64xbf16, #tpu.memory_space<hbm>> -> memref<640x64xbf16, #tpu.memory_space<hbm>>
      tpu.wait_dma2 semaphore(%run_scoped3A : memref<!tpu.dma_semaphore, #tpu.memory_space<semaphore_mem>>) src(%dma_wait3A_14 : memref<640x64xbf16, #tpu.memory_space<hbm>>) dst(%dma_wait3A_12 : memref<640x64xbf16, #tpu.memory_space<vmem_shared>>)
      tpu.yield
    }) : () -> ()
    %barrier3A = arith.constant 0 : index
    tpu.barrier barrier_id(%barrier3A)
    %scan3A = arith.constant 0 : i32
    %scan3A_3 = arith.constant 0 : i32
    %scan3A_4 = arith.constant 10 : i32
    %scan3A_5 = arith.addi %scan3A_3, %scan3A_4 : i32
    %scan3A_6 = arith.constant 1 : i32
    scf.for %scan3A_9 = %scan3A_3 to %scan3A_5 step %scan3A_6  : i32 {
      "tpu.region"() ({
        %run_scoped3A = tpu.sem_alloc : memref<!tpu.dma_semaphore, #tpu.memory_space<semaphore_mem>>
        %dma_start3A = arith.constant 0 : i32
        %dma_start3A_10 = tpu.memref_slice %arg4[%add3A, %scan3A_9, %dma_start3A] : memref<32x10x1024xi32, #tpu.memory_space<hbm>> -> memref<1x1x1024xi32, #tpu.memory_space<hbm>>
        %dma_start3A_11 = tpu.memref_squeeze %dma_start3A_10 : memref<1x1x1024xi32, #tpu.memory_space<hbm>> -> memref<1024xi32, #tpu.memory_space<hbm>>
        %dma_start3A_12 = arith.constant 0 : i32
        %dma_start3A_13 = tpu.memref_slice %arg4[%add3A, %scan3A_9, %dma_start3A_12] : memref<32x10x1024xi32, #tpu.memory_space<hbm>> -> memref<1x1x1024xi32, #tpu.memory_space<hbm>>
        %dma_start3A_14 = tpu.memref_squeeze %dma_start3A_13 : memref<1x1x1024xi32, #tpu.memory_space<hbm>> -> memref<1024xi32, #tpu.memory_space<hbm>>
        tpu.enqueue_dma source(%dma_start3A_14 : memref<1024xi32, #tpu.memory_space<hbm>>) target(%arg9 : memref<1024xi32, #tpu.memory_space<vmem>>) target_semaphore(%run_scoped3A : memref<!tpu.dma_semaphore, #tpu.memory_space<semaphore_mem>>)
        %dma_wait3A = arith.constant 0 : i32
        %dma_wait3A_15 = tpu.memref_slice %arg4[%add3A, %scan3A_9, %dma_wait3A] : memref<32x10x1024xi32, #tpu.memory_space<hbm>> -> memref<1x1x1024xi32, #tpu.memory_space<hbm>>
        %dma_wait3A_16 = tpu.memref_squeeze %dma_wait3A_15 : memref<1x1x1024xi32, #tpu.memory_space<hbm>> -> memref<1024xi32, #tpu.memory_space<hbm>>
        %dma_wait3A_17 = arith.constant 0 : i32
        %dma_wait3A_18 = tpu.memref_slice %arg4[%add3A, %scan3A_9, %dma_wait3A_17] : memref<32x10x1024xi32, #tpu.memory_space<hbm>> -> memref<1x1x1024xi32, #tpu.memory_space<hbm>>
        %dma_wait3A_19 = tpu.memref_squeeze %dma_wait3A_18 : memref<1x1x1024xi32, #tpu.memory_space<hbm>> -> memref<1024xi32, #tpu.memory_space<hbm>>
        tpu.wait_dma2 semaphore(%run_scoped3A : memref<!tpu.dma_semaphore, #tpu.memory_space<semaphore_mem>>) src(%dma_wait3A_19 : memref<1024xi32, #tpu.memory_space<hbm>>) dst(%arg9 : memref<1024xi32, #tpu.memory_space<vmem>>)
        tpu.yield
      }) : () -> ()
      "tpu.region"() ({
        %run_scoped3A = tpu.sem_alloc : memref<!tpu.dma_semaphore, #tpu.memory_space<semaphore_mem>>
        %dma_start3A = arith.constant 0 : i32
        %dma_start3A_10 = tpu.memref_slice %arg5[%add3A, %scan3A_9, %dma_start3A] : memref<32x10x1024xi32, #tpu.memory_space<hbm>> -> memref<1x1x1024xi32, #tpu.memory_space<hbm>>
        %dma_start3A_11 = tpu.memref_squeeze %dma_start3A_10 : memref<1x1x1024xi32, #tpu.memory_space<hbm>> -> memref<1024xi32, #tpu.memory_space<hbm>>
        %dma_start3A_12 = arith.constant 0 : i32
        %dma_start3A_13 = tpu.memref_slice %arg5[%add3A, %scan3A_9, %dma_start3A_12] : memref<32x10x1024xi32, #tpu.memory_space<hbm>> -> memref<1x1x1024xi32, #tpu.memory_space<hbm>>
        %dma_start3A_14 = tpu.memref_squeeze %dma_start3A_13 : memref<1x1x1024xi32, #tpu.memory_space<hbm>> -> memref<1024xi32, #tpu.memory_space<hbm>>
        tpu.enqueue_dma source(%dma_start3A_14 : memref<1024xi32, #tpu.memory_space<hbm>>) target(%arg10 : memref<1024xi32, #tpu.memory_space<vmem>>) target_semaphore(%run_scoped3A : memref<!tpu.dma_semaphore, #tpu.memory_space<semaphore_mem>>)
        %dma_wait3A = arith.constant 0 : i32
        %dma_wait3A_15 = tpu.memref_slice %arg5[%add3A, %scan3A_9, %dma_wait3A] : memref<32x10x1024xi32, #tpu.memory_space<hbm>> -> memref<1x1x1024xi32, #tpu.memory_space<hbm>>
        %dma_wait3A_16 = tpu.memref_squeeze %dma_wait3A_15 : memref<1x1x1024xi32, #tpu.memory_space<hbm>> -> memref<1024xi32, #tpu.memory_space<hbm>>
        %dma_wait3A_17 = arith.constant 0 : i32
        %dma_wait3A_18 = tpu.memref_slice %arg5[%add3A, %scan3A_9, %dma_wait3A_17] : memref<32x10x1024xi32, #tpu.memory_space<hbm>> -> memref<1x1x1024xi32, #tpu.memory_space<hbm>>
        %dma_wait3A_19 = tpu.memref_squeeze %dma_wait3A_18 : memref<1x1x1024xi32, #tpu.memory_space<hbm>> -> memref<1024xi32, #tpu.memory_space<hbm>>
        tpu.wait_dma2 semaphore(%run_scoped3A : memref<!tpu.dma_semaphore, #tpu.memory_space<semaphore_mem>>) src(%dma_wait3A_19 : memref<1024xi32, #tpu.memory_space<hbm>>) dst(%arg10 : memref<1024xi32, #tpu.memory_space<vmem>>)
        tpu.yield
      }) : () -> ()
      "tpu.region"() ({
        %run_scoped3A = tpu.sem_alloc : memref<!tpu.dma_semaphore, #tpu.memory_space<semaphore_mem>>
        %dma_start3A = arith.constant 0 : i32
        %dma_start3A_10 = arith.constant 0 : i32
        %dma_start3A_11 = tpu.memref_slice %arg7[%dma_start3A, %dma_start3A_10] : memref<10240x64xbf16, #tpu.memory_space<vmem_shared>> -> memref<10240x64xbf16, #tpu.memory_space<vmem_shared>>
        tpu.enqueue_indirect_dma source(%dma_start3A_11 : memref<10240x64xbf16, #tpu.memory_space<vmem_shared>>) target(%arg11 : memref<1024x64xbf16, #tpu.memory_space<vmem>>) offsets(%arg9 : memref<1024xi32, #tpu.memory_space<vmem>>) semaphore(%run_scoped3A : memref<!tpu.dma_semaphore, #tpu.memory_space<semaphore_mem>>)
        %dma_wait3A = arith.constant 0 : i32
        %dma_wait3A_12 = arith.constant 0 : i32
        %dma_wait3A_13 = tpu.memref_slice %arg7[%dma_wait3A, %dma_wait3A_12] : memref<10240x64xbf16, #tpu.memory_space<vmem_shared>> -> memref<10240x64xbf16, #tpu.memory_space<vmem_shared>>
        tpu.wait_indirect_dma semaphore(%run_scoped3A : memref<!tpu.dma_semaphore, #tpu.memory_space<semaphore_mem>>) src(%dma_wait3A_13 : memref<10240x64xbf16, #tpu.memory_space<vmem_shared>>) dst(%arg11 : memref<1024x64xbf16, #tpu.memory_space<vmem>>)
        tpu.yield
      }) : () -> ()
      "tpu.region"() ({
        %run_scoped3A = tpu.sem_alloc : memref<!tpu.dma_semaphore, #tpu.memory_space<semaphore_mem>>
        %dma_start3A = arith.constant 0 : i32
        %dma_start3A_10 = arith.constant 0 : i32
        %dma_start3A_11 = tpu.memref_slice %arg8[%dma_start3A, %dma_start3A_10] : memref<10240x64xbf16, #tpu.memory_space<vmem_shared>> -> memref<10240x64xbf16, #tpu.memory_space<vmem_shared>>
        tpu.enqueue_indirect_dma source(%arg11 : memref<1024x64xbf16, #tpu.memory_space<vmem>>) target(%dma_start3A_11 : memref<10240x64xbf16, #tpu.memory_space<vmem_shared>>) offsets(%arg10 : memref<1024xi32, #tpu.memory_space<vmem>>) semaphore(%run_scoped3A : memref<!tpu.dma_semaphore, #tpu.memory_space<semaphore_mem>>) {add = true}
        %dma_wait3A = arith.constant 0 : i32
        %dma_wait3A_12 = arith.constant 0 : i32
        %dma_wait3A_13 = tpu.memref_slice %arg8[%dma_wait3A, %dma_wait3A_12] : memref<10240x64xbf16, #tpu.memory_space<vmem_shared>> -> memref<10240x64xbf16, #tpu.memory_space<vmem_shared>>
        tpu.wait_indirect_dma semaphore(%run_scoped3A : memref<!tpu.dma_semaphore, #tpu.memory_space<semaphore_mem>>) src(%arg11 : memref<1024x64xbf16, #tpu.memory_space<vmem>>) dst(%dma_wait3A_13 : memref<10240x64xbf16, #tpu.memory_space<vmem_shared>>)
        tpu.yield
      }) : () -> ()
    }
    %scan3A_7 = arith.constant 10 : i32
    %barrier3A_8 = arith.constant 0 : index
    tpu.barrier barrier_id(%barrier3A_8)
    "tpu.region"() ({
      %run_scoped3A = tpu.sem_alloc : memref<!tpu.dma_semaphore, #tpu.memory_space<semaphore_mem>>
      %dma_start3A = arith.constant 0 : i32
      %dma_start3A_9 = tpu.memref_slice %arg6[%arg0, %mul3A_2, %dma_start3A] : memref<2x10240x64xbf16, #tpu.memory_space<hbm>> -> memref<1x640x64xbf16, #tpu.memory_space<hbm>>
      %dma_start3A_10 = tpu.memref_squeeze %dma_start3A_9 : memref<1x640x64xbf16, #tpu.memory_space<hbm>> -> memref<640x64xbf16, #tpu.memory_space<hbm>>
      %dma_start3A_11 = arith.constant 0 : i32
      %dma_start3A_12 = tpu.memref_slice %arg8[%mul3A_2, %dma_start3A_11] : memref<10240x64xbf16, #tpu.memory_space<vmem_shared>> -> memref<640x64xbf16, #tpu.memory_space<vmem_shared>>
      tpu.enqueue_dma source(%dma_start3A_12 : memref<640x64xbf16, #tpu.memory_space<vmem_shared>>) target(%dma_start3A_10 : memref<640x64xbf16, #tpu.memory_space<hbm>>) target_semaphore(%run_scoped3A : memref<!tpu.dma_semaphore, #tpu.memory_space<semaphore_mem>>)
      %dma_wait3A = arith.constant 0 : i32
      %dma_wait3A_13 = tpu.memref_slice %arg6[%arg0, %mul3A_2, %dma_wait3A] : memref<2x10240x64xbf16, #tpu.memory_space<hbm>> -> memref<1x640x64xbf16, #tpu.memory_space<hbm>>
      %dma_wait3A_14 = tpu.memref_squeeze %dma_wait3A_13 : memref<1x640x64xbf16, #tpu.memory_space<hbm>> -> memref<640x64xbf16, #tpu.memory_space<hbm>>
      %dma_wait3A_15 = arith.constant 0 : i32
      %dma_wait3A_16 = tpu.memref_slice %arg8[%mul3A_2, %dma_wait3A_15] : memref<10240x64xbf16, #tpu.memory_space<vmem_shared>> -> memref<640x64xbf16, #tpu.memory_space<vmem_shared>>
      tpu.wait_dma2 semaphore(%run_scoped3A : memref<!tpu.dma_semaphore, #tpu.memory_space<semaphore_mem>>) src(%dma_wait3A_16 : memref<640x64xbf16, #tpu.memory_space<vmem_shared>>) dst(%dma_wait3A_14 : memref<640x64xbf16, #tpu.memory_space<hbm>>)
      tpu.yield
    }) : () -> ()
    return
  }
}

module attributes {stable_mosaic.version = 14 : i64} {
  func.func @_tc_h0_body(%arg0: memref<10000x128xf32, #tpu.memory_space<vmem>>, %arg1: memref<128x64xf32, #tpu.memory_space<vmem>>, %arg2: memref<10240x64xf32, #tpu.memory_space<vmem>>) attributes {dimension_semantics = [], scalar_prefetch = 0 : i64, scratch_operands = 0 : i64, tpu.core_type = #tpu.core_type<tc>} {
    %get3A = arith.constant 0 : index
    %get3A_0 = arith.constant 0 : index
    %get3A_1 = vector.load %arg0[%get3A, %get3A_0] : memref<10000x128xf32, #tpu.memory_space<vmem>>, vector<10000x128xf32>
    %get3A_2 = arith.constant 0 : index
    %get3A_3 = arith.constant 0 : index
    %get3A_4 = vector.load %arg1[%get3A_2, %get3A_3] : memref<128x64xf32, #tpu.memory_space<vmem>>, vector<128x64xf32>
    %dot_general3A = arith.constant dense<0.000000e+00> : vector<10000x64xf32>
    %dot_general3A_5 = tpu.matmul %get3A_1, %get3A_4, %dot_general3A {dimension_numbers = #tpu.dot_dimension_numbers<[1], [0], [0], [1], [0, 0, 1, 1], [], []>, transpose_lhs_hint = false} : vector<10000x128xf32>, vector<128x64xf32>, vector<10000x64xf32> -> vector<10000x64xf32>
    %swap3A = arith.constant 0 : index
    %swap3A_6 = arith.constant 0 : index
    %swap3A_7 = vector.load %arg2[%swap3A, %swap3A_6] : memref<10240x64xf32, #tpu.memory_space<vmem>>, vector<10000x64xf32>
    tpu.vector_store %arg2[%swap3A, %swap3A_6], %dot_general3A_5 {strides = array<i32>} : memref<10240x64xf32, #tpu.memory_space<vmem>>, vector<10000x64xf32>,
    %broadcast_in_dim3A = arith.constant 0.000000e+00 : f32
    %broadcast_in_dim3A_8 = vector.broadcast %broadcast_in_dim3A : f32 to vector<240x64xf32>
    %swap3A_9 = arith.constant 10000 : index
    %swap3A_10 = arith.constant 0 : index
    %swap3A_11 = vector.load %arg2[%swap3A_9, %swap3A_10] : memref<10240x64xf32, #tpu.memory_space<vmem>>, vector<240x64xf32>
    tpu.vector_store %arg2[%swap3A_9, %swap3A_10], %broadcast_in_dim3A_8 {strides = array<i32>} : memref<10240x64xf32, #tpu.memory_space<vmem>>, vector<240x64xf32>,
    return
  }
}

module attributes {stable_mosaic.version = 14 : i64} {
  func.func @_tc_scale_body(%arg0: memref<10240x64xf32, #tpu.memory_space<vmem>>, %arg1: memref<2x10240x16xf32, #tpu.memory_space<vmem>>, %arg2: memref<10240x64xf32, #tpu.memory_space<vmem>>, %arg3: memref<10240x64xbf16, #tpu.memory_space<vmem>>, %arg4: memref<10240x1xf32, #tpu.memory_space<vmem>>) attributes {dimension_semantics = [], scalar_prefetch = 0 : i64, scratch_operands = 0 : i64, tpu.core_type = #tpu.core_type<tc>} {
    %get3A = arith.constant 0 : index
    %get3A_0 = arith.constant 0 : index
    %get3A_1 = arith.constant 0 : index
    %get3A_2 = vector.load %arg1[%get3A, %get3A_0, %get3A_1] : memref<2x10240x16xf32, #tpu.memory_space<vmem>>, vector<1x10240x1xf32>
    %get3A_3 = vector.shape_cast %get3A_2 : vector<1x10240x1xf32> to vector<10240x1xf32>
    %get3A_4 = arith.constant 1 : index
    %get3A_5 = arith.constant 0 : index
    %get3A_6 = arith.constant 0 : index
    %get3A_7 = vector.load %arg1[%get3A_4, %get3A_5, %get3A_6] : memref<2x10240x16xf32, #tpu.memory_space<vmem>>, vector<1x10240x1xf32>
    %get3A_8 = vector.shape_cast %get3A_7 : vector<1x10240x1xf32> to vector<10240x1xf32>
    %add3A = arith.addf %get3A_3, %get3A_8 : vector<10240x1xf32>
    %add3A_9 = arith.constant 1.000000e+00 : f32
    %add3A_10 = vector.broadcast %add3A_9 : f32 to vector<10240x1xf32>
    %add3A_11 = arith.addf %add3A, %add3A_10 : vector<10240x1xf32>
    %gt3A = arith.constant 0.000000e+00 : f32
    %gt3A_12 = vector.broadcast %gt3A : f32 to vector<10240x1xf32>
    %gt3A_13 = arith.cmpf ogt, %add3A_11, %gt3A_12 : vector<10240x1xf32>
    %rsqrt3A = math.rsqrt %add3A_11 : vector<10240x1xf32>
    %jit3A = arith.constant 0.000000e+00 : f32
    %broadcast_in_dim3A = vector.broadcast %jit3A : f32 to vector<10240x1xf32>
    %select_n3A = arith.select %gt3A_13, %rsqrt3A, %broadcast_in_dim3A : vector<10240x1xi1>, vector<10240x1xf32>
    %get3A_14 = arith.constant 0 : index
    %get3A_15 = arith.constant 0 : index
    %get3A_16 = vector.load %arg0[%get3A_14, %get3A_15] : memref<10240x64xf32, #tpu.memory_space<vmem>>, vector<10240x64xf32>
    %mul3A = vector.broadcast %select_n3A : vector<10240x1xf32> to vector<10240x64xf32>
    %mul3A_17 = arith.mulf %mul3A, %get3A_16 : vector<10240x64xf32>
    %swap3A = arith.constant 0 : index
    %swap3A_18 = arith.constant 0 : index
    %swap3A_19 = vector.load %arg2[%swap3A, %swap3A_18] : memref<10240x64xf32, #tpu.memory_space<vmem>>, vector<10240x64xf32>
    tpu.vector_store %arg2[%swap3A, %swap3A_18], %mul3A_17 {strides = array<i32>} : memref<10240x64xf32, #tpu.memory_space<vmem>>, vector<10240x64xf32>,
    %convert_element_type3A = arith.truncf %mul3A_17 : vector<10240x64xf32> to vector<10240x64xbf16>
    %swap3A_20 = arith.constant 0 : index
    %swap3A_21 = arith.constant 0 : index
    %swap3A_22 = vector.load %arg3[%swap3A_20, %swap3A_21] : memref<10240x64xbf16, #tpu.memory_space<vmem>>, vector<10240x64xbf16>
    tpu.vector_store %arg3[%swap3A_20, %swap3A_21], %convert_element_type3A {strides = array<i32>} : memref<10240x64xbf16, #tpu.memory_space<vmem>>, vector<10240x64xbf16>,
    %swap3A_23 = arith.constant 0 : index
    %swap3A_24 = arith.constant 0 : index
    %swap3A_25 = vector.load %arg4[%swap3A_23, %swap3A_24] : memref<10240x1xf32, #tpu.memory_space<vmem>>, vector<10240x1xf32>
    tpu.vector_store %arg4[%swap3A_23, %swap3A_24], %select_n3A {strides = array<i32>} : memref<10240x1xf32, #tpu.memory_space<vmem>>, vector<10240x1xf32>,
    return
  }
}

module attributes {stable_mosaic.version = 14 : i64} {
  func.func @_tc_mid_body(%arg0: memref<2x10240x64xbf16, #tpu.memory_space<vmem>>, %arg1: memref<10240x64xf32, #tpu.memory_space<vmem>>, %arg2: memref<10240x1xf32, #tpu.memory_space<vmem>>, %arg3: memref<1x64xf32, #tpu.memory_space<vmem>>, %arg4: memref<1x64xf32, #tpu.memory_space<vmem>>, %arg5: memref<1x64xf32, #tpu.memory_space<vmem>>, %arg6: memref<64x64xf32, #tpu.memory_space<vmem>>, %arg7: memref<10240x64xf32, #tpu.memory_space<vmem>>, %arg8: memref<10240x64xf32, #tpu.memory_space<vmem>>, %arg9: memref<10240x64xbf16, #tpu.memory_space<vmem>>) attributes {dimension_semantics = [], scalar_prefetch = 0 : i64, scratch_operands = 0 : i64, tpu.core_type = #tpu.core_type<tc>} {
    %get3A = arith.constant 0 : index
    %get3A_0 = arith.constant 0 : index
    %get3A_1 = vector.load %arg2[%get3A, %get3A_0] : memref<10240x1xf32, #tpu.memory_space<vmem>>, vector<10240x1xf32>
    %get3A_2 = arith.constant 0 : index
    %get3A_3 = arith.constant 0 : index
    %get3A_4 = arith.constant 0 : index
    %get3A_5 = vector.load %arg0[%get3A_2, %get3A_3, %get3A_4] : memref<2x10240x64xbf16, #tpu.memory_space<vmem>>, vector<1x10240x64xbf16>
    %get3A_6 = vector.shape_cast %get3A_5 : vector<1x10240x64xbf16> to vector<10240x64xbf16>
    %convert_element_type3A = arith.extf %get3A_6 : vector<10240x64xbf16> to vector<10240x64xf32>
    %get3A_7 = arith.constant 1 : index
    %get3A_8 = arith.constant 0 : index
    %get3A_9 = arith.constant 0 : index
    %get3A_10 = vector.load %arg0[%get3A_7, %get3A_8, %get3A_9] : memref<2x10240x64xbf16, #tpu.memory_space<vmem>>, vector<1x10240x64xbf16>
    %get3A_11 = vector.shape_cast %get3A_10 : vector<1x10240x64xbf16> to vector<10240x64xbf16>
    %convert_element_type3A_12 = arith.extf %get3A_11 : vector<10240x64xbf16> to vector<10240x64xf32>
    %add3A = arith.addf %convert_element_type3A, %convert_element_type3A_12 : vector<10240x64xf32>
    %get3A_13 = arith.constant 0 : index
    %get3A_14 = arith.constant 0 : index
    %get3A_15 = vector.load %arg1[%get3A_13, %get3A_14] : memref<10240x64xf32, #tpu.memory_space<vmem>>, vector<10240x64xf32>
    %add3A_16 = arith.addf %add3A, %get3A_15 : vector<10240x64xf32>
    %mul3A = vector.broadcast %get3A_1 : vector<10240x1xf32> to vector<10240x64xf32>
    %mul3A_17 = arith.mulf %mul3A, %add3A_16 : vector<10240x64xf32>
    %get3A_18 = arith.constant 0 : index
    %get3A_19 = arith.constant 0 : index
    %get3A_20 = vector.load %arg3[%get3A_18, %get3A_19] : memref<1x64xf32, #tpu.memory_space<vmem>>, vector<1x64xf32>
    %add3A_21 = vector.broadcast %get3A_20 : vector<1x64xf32> to vector<10240x64xf32>
    %add3A_22 = arith.addf %mul3A_17, %add3A_21 : vector<10240x64xf32>
    %get3A_23 = arith.constant 0 : index
    %get3A_24 = arith.constant 0 : index
    %get3A_25 = vector.load %arg4[%get3A_23, %get3A_24] : memref<1x64xf32, #tpu.memory_space<vmem>>, vector<1x64xf32>
    %get3A_26 = arith.constant 0 : index
    %get3A_27 = arith.constant 0 : index
    %get3A_28 = vector.load %arg5[%get3A_26, %get3A_27] : memref<1x64xf32, #tpu.memory_space<vmem>>, vector<1x64xf32>
    %reduce_sum3A = arith.constant dense<0.000000e+00> : vector<10240xf32>
    %reduce_sum3A_29 = vector.multi_reduction <add>, %add3A_22, %reduce_sum3A [1] : vector<10240x64xf32> to vector<10240xf32>
    %broadcast_in_dim3A = vector.shape_cast %reduce_sum3A_29 : vector<10240xf32> to vector<10240x1xf32>
    %div3A = arith.constant 6.400000e+01 : f32
    %div3A_30 = vector.broadcast %div3A : f32 to vector<10240x1xf32>
    %div3A_31 = arith.divf %broadcast_in_dim3A, %div3A_30 : vector<10240x1xf32>
    %sub3A = vector.broadcast %div3A_31 : vector<10240x1xf32> to vector<10240x64xf32>
    %sub3A_32 = arith.subf %add3A_22, %sub3A : vector<10240x64xf32>
    %integer_pow3A = arith.mulf %sub3A_32, %sub3A_32 : vector<10240x64xf32>
    %reduce_sum3A_33 = arith.constant dense<0.000000e+00> : vector<10240xf32>
    %reduce_sum3A_34 = vector.multi_reduction <add>, %integer_pow3A, %reduce_sum3A_33 [1] : vector<10240x64xf32> to vector<10240xf32>
    %broadcast_in_dim3A_35 = vector.shape_cast %reduce_sum3A_34 : vector<10240xf32> to vector<10240x1xf32>
    %div3A_36 = arith.constant 6.400000e+01 : f32
    %div3A_37 = vector.broadcast %div3A_36 : f32 to vector<10240x1xf32>
    %div3A_38 = arith.divf %broadcast_in_dim3A_35, %div3A_37 : vector<10240x1xf32>
    %sub3A_39 = vector.broadcast %div3A_31 : vector<10240x1xf32> to vector<10240x64xf32>
    %sub3A_40 = arith.subf %add3A_22, %sub3A_39 : vector<10240x64xf32>
    %add3A_41 = arith.constant 9.99999974E-6 : f32
    %add3A_42 = vector.broadcast %add3A_41 : f32 to vector<10240x1xf32>
    %add3A_43 = arith.addf %div3A_38, %add3A_42 : vector<10240x1xf32>
    %rsqrt3A = math.rsqrt %add3A_43 : vector<10240x1xf32>
    %mul3A_44 = vector.broadcast %rsqrt3A : vector<10240x1xf32> to vector<10240x64xf32>
    %mul3A_45 = arith.mulf %sub3A_40, %mul3A_44 : vector<10240x64xf32>
    %mul3A_46 = vector.broadcast %get3A_25 : vector<1x64xf32> to vector<10240x64xf32>
    %mul3A_47 = arith.mulf %mul3A_45, %mul3A_46 : vector<10240x64xf32>
    %add3A_48 = vector.broadcast %get3A_28 : vector<1x64xf32> to vector<10240x64xf32>
    %add3A_49 = arith.addf %mul3A_47, %add3A_48 : vector<10240x64xf32>
    %max3A = arith.constant 0.000000e+00 : f32
    %max3A_50 = vector.broadcast %max3A : f32 to vector<10240x64xf32>
    %max3A_51 = arith.maximumf %add3A_49, %max3A_50 : vector<10240x64xf32>
    %swap3A = arith.constant 0 : index
    %swap3A_52 = arith.constant 0 : index
    %swap3A_53 = vector.load %arg7[%swap3A, %swap3A_52] : memref<10240x64xf32, #tpu.memory_space<vmem>>, vector<10240x64xf32>
    tpu.vector_store %arg7[%swap3A, %swap3A_52], %max3A_51 {strides = array<i32>} : memref<10240x64xf32, #tpu.memory_space<vmem>>, vector<10240x64xf32>,
    %get3A_54 = arith.constant 0 : index
    %get3A_55 = arith.constant 0 : index
    %get3A_56 = vector.load %arg6[%get3A_54, %get3A_55] : memref<64x64xf32, #tpu.memory_space<vmem>>, vector<64x64xf32>
    %dot_general3A = arith.constant dense<0.000000e+00> : vector<10240x64xf32>
    %dot_general3A_57 = tpu.matmul %max3A_51, %get3A_56, %dot_general3A {dimension_numbers = #tpu.dot_dimension_numbers<[1], [0], [0], [1], [0, 0, 1, 1], [], []>, transpose_lhs_hint = false} : vector<10240x64xf32>, vector<64x64xf32>, vector<10240x64xf32> -> vector<10240x64xf32>
    %mul3A_58 = vector.broadcast %get3A_1 : vector<10240x1xf32> to vector<10240x64xf32>
    %mul3A_59 = arith.mulf %mul3A_58, %dot_general3A_57 : vector<10240x64xf32>
    %swap3A_60 = arith.constant 0 : index
    %swap3A_61 = arith.constant 0 : index
    %swap3A_62 = vector.load %arg8[%swap3A_60, %swap3A_61] : memref<10240x64xf32, #tpu.memory_space<vmem>>, vector<10240x64xf32>
    tpu.vector_store %arg8[%swap3A_60, %swap3A_61], %mul3A_59 {strides = array<i32>} : memref<10240x64xf32, #tpu.memory_space<vmem>>, vector<10240x64xf32>,
    %convert_element_type3A_63 = arith.truncf %mul3A_59 : vector<10240x64xf32> to vector<10240x64xbf16>
    %swap3A_64 = arith.constant 0 : index
    %swap3A_65 = arith.constant 0 : index
    %swap3A_66 = vector.load %arg9[%swap3A_64, %swap3A_65] : memref<10240x64xbf16, #tpu.memory_space<vmem>>, vector<10240x64xbf16>
    tpu.vector_store %arg9[%swap3A_64, %swap3A_65], %convert_element_type3A_63 {strides = array<i32>} : memref<10240x64xbf16, #tpu.memory_space<vmem>>, vector<10240x64xbf16>,
    return
  }
}

module attributes {stable_mosaic.version = 14 : i64} {
  func.func @_tc_mid_body(%arg0: memref<2x10240x64xbf16, #tpu.memory_space<vmem>>, %arg1: memref<10240x64xf32, #tpu.memory_space<vmem>>, %arg2: memref<10240x1xf32, #tpu.memory_space<vmem>>, %arg3: memref<1x64xf32, #tpu.memory_space<vmem>>, %arg4: memref<1x64xf32, #tpu.memory_space<vmem>>, %arg5: memref<1x64xf32, #tpu.memory_space<vmem>>, %arg6: memref<64x64xf32, #tpu.memory_space<vmem>>, %arg7: memref<10240x64xf32, #tpu.memory_space<vmem>>, %arg8: memref<10240x64xf32, #tpu.memory_space<vmem>>, %arg9: memref<10240x64xf32, #tpu.memory_space<vmem>>, %arg10: memref<10240x64xbf16, #tpu.memory_space<vmem>>) attributes {dimension_semantics = [], scalar_prefetch = 0 : i64, scratch_operands = 0 : i64, tpu.core_type = #tpu.core_type<tc>} {
    %get3A = arith.constant 0 : index
    %get3A_0 = arith.constant 0 : index
    %get3A_1 = vector.load %arg2[%get3A, %get3A_0] : memref<10240x1xf32, #tpu.memory_space<vmem>>, vector<10240x1xf32>
    %get3A_2 = arith.constant 0 : index
    %get3A_3 = arith.constant 0 : index
    %get3A_4 = arith.constant 0 : index
    %get3A_5 = vector.load %arg0[%get3A_2, %get3A_3, %get3A_4] : memref<2x10240x64xbf16, #tpu.memory_space<vmem>>, vector<1x10240x64xbf16>
    %get3A_6 = vector.shape_cast %get3A_5 : vector<1x10240x64xbf16> to vector<10240x64xbf16>
    %convert_element_type3A = arith.extf %get3A_6 : vector<10240x64xbf16> to vector<10240x64xf32>
    %get3A_7 = arith.constant 1 : index
    %get3A_8 = arith.constant 0 : index
    %get3A_9 = arith.constant 0 : index
    %get3A_10 = vector.load %arg0[%get3A_7, %get3A_8, %get3A_9] : memref<2x10240x64xbf16, #tpu.memory_space<vmem>>, vector<1x10240x64xbf16>
    %get3A_11 = vector.shape_cast %get3A_10 : vector<1x10240x64xbf16> to vector<10240x64xbf16>
    %convert_element_type3A_12 = arith.extf %get3A_11 : vector<10240x64xbf16> to vector<10240x64xf32>
    %add3A = arith.addf %convert_element_type3A, %convert_element_type3A_12 : vector<10240x64xf32>
    %get3A_13 = arith.constant 0 : index
    %get3A_14 = arith.constant 0 : index
    %get3A_15 = vector.load %arg1[%get3A_13, %get3A_14] : memref<10240x64xf32, #tpu.memory_space<vmem>>, vector<10240x64xf32>
    %add3A_16 = arith.addf %add3A, %get3A_15 : vector<10240x64xf32>
    %mul3A = vector.broadcast %get3A_1 : vector<10240x1xf32> to vector<10240x64xf32>
    %mul3A_17 = arith.mulf %mul3A, %add3A_16 : vector<10240x64xf32>
    %get3A_18 = arith.constant 0 : index
    %get3A_19 = arith.constant 0 : index
    %get3A_20 = vector.load %arg3[%get3A_18, %get3A_19] : memref<1x64xf32, #tpu.memory_space<vmem>>, vector<1x64xf32>
    %add3A_21 = vector.broadcast %get3A_20 : vector<1x64xf32> to vector<10240x64xf32>
    %add3A_22 = arith.addf %mul3A_17, %add3A_21 : vector<10240x64xf32>
    %get3A_23 = arith.constant 0 : index
    %get3A_24 = arith.constant 0 : index
    %get3A_25 = vector.load %arg4[%get3A_23, %get3A_24] : memref<1x64xf32, #tpu.memory_space<vmem>>, vector<1x64xf32>
    %get3A_26 = arith.constant 0 : index
    %get3A_27 = arith.constant 0 : index
    %get3A_28 = vector.load %arg5[%get3A_26, %get3A_27] : memref<1x64xf32, #tpu.memory_space<vmem>>, vector<1x64xf32>
    %reduce_sum3A = arith.constant dense<0.000000e+00> : vector<10240xf32>
    %reduce_sum3A_29 = vector.multi_reduction <add>, %add3A_22, %reduce_sum3A [1] : vector<10240x64xf32> to vector<10240xf32>
    %broadcast_in_dim3A = vector.shape_cast %reduce_sum3A_29 : vector<10240xf32> to vector<10240x1xf32>
    %div3A = arith.constant 6.400000e+01 : f32
    %div3A_30 = vector.broadcast %div3A : f32 to vector<10240x1xf32>
    %div3A_31 = arith.divf %broadcast_in_dim3A, %div3A_30 : vector<10240x1xf32>
    %sub3A = vector.broadcast %div3A_31 : vector<10240x1xf32> to vector<10240x64xf32>
    %sub3A_32 = arith.subf %add3A_22, %sub3A : vector<10240x64xf32>
    %integer_pow3A = arith.mulf %sub3A_32, %sub3A_32 : vector<10240x64xf32>
    %reduce_sum3A_33 = arith.constant dense<0.000000e+00> : vector<10240xf32>
    %reduce_sum3A_34 = vector.multi_reduction <add>, %integer_pow3A, %reduce_sum3A_33 [1] : vector<10240x64xf32> to vector<10240xf32>
    %broadcast_in_dim3A_35 = vector.shape_cast %reduce_sum3A_34 : vector<10240xf32> to vector<10240x1xf32>
    %div3A_36 = arith.constant 6.400000e+01 : f32
    %div3A_37 = vector.broadcast %div3A_36 : f32 to vector<10240x1xf32>
    %div3A_38 = arith.divf %broadcast_in_dim3A_35, %div3A_37 : vector<10240x1xf32>
    %sub3A_39 = vector.broadcast %div3A_31 : vector<10240x1xf32> to vector<10240x64xf32>
    %sub3A_40 = arith.subf %add3A_22, %sub3A_39 : vector<10240x64xf32>
    %add3A_41 = arith.constant 9.99999974E-6 : f32
    %add3A_42 = vector.broadcast %add3A_41 : f32 to vector<10240x1xf32>
    %add3A_43 = arith.addf %div3A_38, %add3A_42 : vector<10240x1xf32>
    %rsqrt3A = math.rsqrt %add3A_43 : vector<10240x1xf32>
    %mul3A_44 = vector.broadcast %rsqrt3A : vector<10240x1xf32> to vector<10240x64xf32>
    %mul3A_45 = arith.mulf %sub3A_40, %mul3A_44 : vector<10240x64xf32>
    %mul3A_46 = vector.broadcast %get3A_25 : vector<1x64xf32> to vector<10240x64xf32>
    %mul3A_47 = arith.mulf %mul3A_45, %mul3A_46 : vector<10240x64xf32>
    %add3A_48 = vector.broadcast %get3A_28 : vector<1x64xf32> to vector<10240x64xf32>
    %add3A_49 = arith.addf %mul3A_47, %add3A_48 : vector<10240x64xf32>
    %max3A = arith.constant 0.000000e+00 : f32
    %max3A_50 = vector.broadcast %max3A : f32 to vector<10240x64xf32>
    %max3A_51 = arith.maximumf %add3A_49, %max3A_50 : vector<10240x64xf32>
    %get3A_52 = arith.constant 0 : index
    %get3A_53 = arith.constant 0 : index
    %get3A_54 = vector.load %arg7[%get3A_52, %get3A_53] : memref<10240x64xf32, #tpu.memory_space<vmem>>, vector<10240x64xf32>
    %add3A_55 = arith.addf %get3A_54, %max3A_51 : vector<10240x64xf32>
    %swap3A = arith.constant 0 : index
    %swap3A_56 = arith.constant 0 : index
    %swap3A_57 = vector.load %arg8[%swap3A, %swap3A_56] : memref<10240x64xf32, #tpu.memory_space<vmem>>, vector<10240x64xf32>
    tpu.vector_store %arg8[%swap3A, %swap3A_56], %add3A_55 {strides = array<i32>} : memref<10240x64xf32, #tpu.memory_space<vmem>>, vector<10240x64xf32>,
    %get3A_58 = arith.constant 0 : index
    %get3A_59 = arith.constant 0 : index
    %get3A_60 = vector.load %arg6[%get3A_58, %get3A_59] : memref<64x64xf32, #tpu.memory_space<vmem>>, vector<64x64xf32>
    %dot_general3A = arith.constant dense<0.000000e+00> : vector<10240x64xf32>
    %dot_general3A_61 = tpu.matmul %add3A_55, %get3A_60, %dot_general3A {dimension_numbers = #tpu.dot_dimension_numbers<[1], [0], [0], [1], [0, 0, 1, 1], [], []>, transpose_lhs_hint = false} : vector<10240x64xf32>, vector<64x64xf32>, vector<10240x64xf32> -> vector<10240x64xf32>
    %mul3A_62 = vector.broadcast %get3A_1 : vector<10240x1xf32> to vector<10240x64xf32>
    %mul3A_63 = arith.mulf %mul3A_62, %dot_general3A_61 : vector<10240x64xf32>
    %swap3A_64 = arith.constant 0 : index
    %swap3A_65 = arith.constant 0 : index
    %swap3A_66 = vector.load %arg9[%swap3A_64, %swap3A_65] : memref<10240x64xf32, #tpu.memory_space<vmem>>, vector<10240x64xf32>
    tpu.vector_store %arg9[%swap3A_64, %swap3A_65], %mul3A_63 {strides = array<i32>} : memref<10240x64xf32, #tpu.memory_space<vmem>>, vector<10240x64xf32>,
    %convert_element_type3A_67 = arith.truncf %mul3A_63 : vector<10240x64xf32> to vector<10240x64xbf16>
    %swap3A_68 = arith.constant 0 : index
    %swap3A_69 = arith.constant 0 : index
    %swap3A_70 = vector.load %arg10[%swap3A_68, %swap3A_69] : memref<10240x64xbf16, #tpu.memory_space<vmem>>, vector<10240x64xbf16>
    tpu.vector_store %arg10[%swap3A_68, %swap3A_69], %convert_element_type3A_67 {strides = array<i32>} : memref<10240x64xbf16, #tpu.memory_space<vmem>>, vector<10240x64xbf16>,
    return
  }
}

module attributes {stable_mosaic.version = 14 : i64} {
  func.func @_tc_fin_body(%arg0: memref<2x10240x64xbf16, #tpu.memory_space<vmem>>, %arg1: memref<10240x64xf32, #tpu.memory_space<vmem>>, %arg2: memref<10240x1xf32, #tpu.memory_space<vmem>>, %arg3: memref<1x64xf32, #tpu.memory_space<vmem>>, %arg4: memref<1x64xf32, #tpu.memory_space<vmem>>, %arg5: memref<1x64xf32, #tpu.memory_space<vmem>>, %arg6: memref<10240x64xf32, #tpu.memory_space<vmem>>, %arg7: memref<64x64xf32, #tpu.memory_space<vmem>>, %arg8: memref<1x64xf32, #tpu.memory_space<vmem>>, %arg9: memref<64x128xf32, #tpu.memory_space<vmem>>, %arg10: memref<1x128xf32, #tpu.memory_space<vmem>>, %arg11: memref<1x128xf32, #tpu.memory_space<vmem>>) attributes {dimension_semantics = [], scalar_prefetch = 0 : i64, scratch_operands = 0 : i64, tpu.core_type = #tpu.core_type<tc>} {
    %get3A = arith.constant 0 : index
    %get3A_0 = arith.constant 0 : index
    %get3A_1 = vector.load %arg2[%get3A, %get3A_0] : memref<10240x1xf32, #tpu.memory_space<vmem>>, vector<10240x1xf32>
    %get3A_2 = arith.constant 0 : index
    %get3A_3 = arith.constant 0 : index
    %get3A_4 = arith.constant 0 : index
    %get3A_5 = vector.load %arg0[%get3A_2, %get3A_3, %get3A_4] : memref<2x10240x64xbf16, #tpu.memory_space<vmem>>, vector<1x10240x64xbf16>
    %get3A_6 = vector.shape_cast %get3A_5 : vector<1x10240x64xbf16> to vector<10240x64xbf16>
    %convert_element_type3A = arith.extf %get3A_6 : vector<10240x64xbf16> to vector<10240x64xf32>
    %get3A_7 = arith.constant 1 : index
    %get3A_8 = arith.constant 0 : index
    %get3A_9 = arith.constant 0 : index
    %get3A_10 = vector.load %arg0[%get3A_7, %get3A_8, %get3A_9] : memref<2x10240x64xbf16, #tpu.memory_space<vmem>>, vector<1x10240x64xbf16>
    %get3A_11 = vector.shape_cast %get3A_10 : vector<1x10240x64xbf16> to vector<10240x64xbf16>
    %convert_element_type3A_12 = arith.extf %get3A_11 : vector<10240x64xbf16> to vector<10240x64xf32>
    %add3A = arith.addf %convert_element_type3A, %convert_element_type3A_12 : vector<10240x64xf32>
    %get3A_13 = arith.constant 0 : index
    %get3A_14 = arith.constant 0 : index
    %get3A_15 = vector.load %arg1[%get3A_13, %get3A_14] : memref<10240x64xf32, #tpu.memory_space<vmem>>, vector<10240x64xf32>
    %add3A_16 = arith.addf %add3A, %get3A_15 : vector<10240x64xf32>
    %mul3A = vector.broadcast %get3A_1 : vector<10240x1xf32> to vector<10240x64xf32>
    %mul3A_17 = arith.mulf %mul3A, %add3A_16 : vector<10240x64xf32>
    %get3A_18 = arith.constant 0 : index
    %get3A_19 = arith.constant 0 : index
    %get3A_20 = vector.load %arg3[%get3A_18, %get3A_19] : memref<1x64xf32, #tpu.memory_space<vmem>>, vector<1x64xf32>
    %add3A_21 = vector.broadcast %get3A_20 : vector<1x64xf32> to vector<10240x64xf32>
    %add3A_22 = arith.addf %mul3A_17, %add3A_21 : vector<10240x64xf32>
    %get3A_23 = arith.constant 0 : index
    %get3A_24 = arith.constant 0 : index
    %get3A_25 = vector.load %arg6[%get3A_23, %get3A_24] : memref<10240x64xf32, #tpu.memory_space<vmem>>, vector<10240x64xf32>
    %get3A_26 = arith.constant 0 : index
    %get3A_27 = arith.constant 0 : index
    %get3A_28 = vector.load %arg4[%get3A_26, %get3A_27] : memref<1x64xf32, #tpu.memory_space<vmem>>, vector<1x64xf32>
    %get3A_29 = arith.constant 0 : index
    %get3A_30 = arith.constant 0 : index
    %get3A_31 = vector.load %arg5[%get3A_29, %get3A_30] : memref<1x64xf32, #tpu.memory_space<vmem>>, vector<1x64xf32>
    %reduce_sum3A = arith.constant dense<0.000000e+00> : vector<10240xf32>
    %reduce_sum3A_32 = vector.multi_reduction <add>, %add3A_22, %reduce_sum3A [1] : vector<10240x64xf32> to vector<10240xf32>
    %broadcast_in_dim3A = vector.shape_cast %reduce_sum3A_32 : vector<10240xf32> to vector<10240x1xf32>
    %div3A = arith.constant 6.400000e+01 : f32
    %div3A_33 = vector.broadcast %div3A : f32 to vector<10240x1xf32>
    %div3A_34 = arith.divf %broadcast_in_dim3A, %div3A_33 : vector<10240x1xf32>
    %sub3A = vector.broadcast %div3A_34 : vector<10240x1xf32> to vector<10240x64xf32>
    %sub3A_35 = arith.subf %add3A_22, %sub3A : vector<10240x64xf32>
    %integer_pow3A = arith.mulf %sub3A_35, %sub3A_35 : vector<10240x64xf32>
    %reduce_sum3A_36 = arith.constant dense<0.000000e+00> : vector<10240xf32>
    %reduce_sum3A_37 = vector.multi_reduction <add>, %integer_pow3A, %reduce_sum3A_36 [1] : vector<10240x64xf32> to vector<10240xf32>
    %broadcast_in_dim3A_38 = vector.shape_cast %reduce_sum3A_37 : vector<10240xf32> to vector<10240x1xf32>
    %div3A_39 = arith.constant 6.400000e+01 : f32
    %div3A_40 = vector.broadcast %div3A_39 : f32 to vector<10240x1xf32>
    %div3A_41 = arith.divf %broadcast_in_dim3A_38, %div3A_40 : vector<10240x1xf32>
    %sub3A_42 = vector.broadcast %div3A_34 : vector<10240x1xf32> to vector<10240x64xf32>
    %sub3A_43 = arith.subf %add3A_22, %sub3A_42 : vector<10240x64xf32>
    %add3A_44 = arith.constant 9.99999974E-6 : f32
    %add3A_45 = vector.broadcast %add3A_44 : f32 to vector<10240x1xf32>
    %add3A_46 = arith.addf %div3A_41, %add3A_45 : vector<10240x1xf32>
    %rsqrt3A = math.rsqrt %add3A_46 : vector<10240x1xf32>
    %mul3A_47 = vector.broadcast %rsqrt3A : vector<10240x1xf32> to vector<10240x64xf32>
    %mul3A_48 = arith.mulf %sub3A_43, %mul3A_47 : vector<10240x64xf32>
    %mul3A_49 = vector.broadcast %get3A_28 : vector<1x64xf32> to vector<10240x64xf32>
    %mul3A_50 = arith.mulf %mul3A_48, %mul3A_49 : vector<10240x64xf32>
    %add3A_51 = vector.broadcast %get3A_31 : vector<1x64xf32> to vector<10240x64xf32>
    %add3A_52 = arith.addf %mul3A_50, %add3A_51 : vector<10240x64xf32>
    %max3A = arith.constant 0.000000e+00 : f32
    %max3A_53 = vector.broadcast %max3A : f32 to vector<10240x64xf32>
    %max3A_54 = arith.maximumf %add3A_52, %max3A_53 : vector<10240x64xf32>
    %add3A_55 = arith.addf %get3A_25, %max3A_54 : vector<10240x64xf32>
    %iota3A = tpu.iota {dimensions = array<i32: 0>} : vector<10240x1xi32>
    %lt3A = arith.constant 10000 : i32
    %lt3A_56 = vector.broadcast %lt3A : i32 to vector<10240x1xi32>
    %lt3A_57 = arith.cmpi slt, %iota3A, %lt3A_56 : vector<10240x1xi32>
    %jit3A = arith.constant 0.000000e+00 : f32
    %broadcast_in_dim3A_58 = vector.shape_cast %lt3A_57 : vector<10240x1xi1> to vector<10240x1xi1>
    %broadcast_in_dim3A_59 = vector.broadcast %broadcast_in_dim3A_58 : vector<10240x1xi1> to vector<10240x64xi1>
    %broadcast_in_dim3A_60 = vector.broadcast %jit3A : f32 to vector<10240x64xf32>
    %select_n3A = arith.select %broadcast_in_dim3A_59, %add3A_55, %broadcast_in_dim3A_60 : vector<10240x64xi1>, vector<10240x64xf32>
    %reduce_sum3A_61 = arith.constant dense<0.000000e+00> : vector<64xf32>
    %reduce_sum3A_62 = vector.multi_reduction <add>, %select_n3A, %reduce_sum3A_61 [0] : vector<10240x64xf32> to vector<64xf32>
    %broadcast_in_dim3A_63 = vector.shape_cast %reduce_sum3A_62 : vector<64xf32> to vector<1x64xf32>
    %mul3A_64 = arith.constant 9.99999974E-5 : f32
    %mul3A_65 = vector.broadcast %mul3A_64 : f32 to vector<1x64xf32>
    %mul3A_66 = arith.mulf %broadcast_in_dim3A_63, %mul3A_65 : vector<1x64xf32>
    %get3A_67 = arith.constant 0 : index
    %get3A_68 = arith.constant 0 : index
    %get3A_69 = vector.load %arg7[%get3A_67, %get3A_68] : memref<64x64xf32, #tpu.memory_space<vmem>>, vector<64x64xf32>
    %dot_general3A = arith.constant dense<0.000000e+00> : vector<1x64xf32>
    %dot_general3A_70 = tpu.matmul %mul3A_66, %get3A_69, %dot_general3A {dimension_numbers = #tpu.dot_dimension_numbers<[1], [0], [0], [1], [0, 0, 1, 1], [], []>, transpose_lhs_hint = false} : vector<1x64xf32>, vector<64x64xf32>, vector<1x64xf32> -> vector<1x64xf32>
    %get3A_71 = arith.constant 0 : index
    %get3A_72 = arith.constant 0 : index
    %get3A_73 = vector.load %arg8[%get3A_71, %get3A_72] : memref<1x64xf32, #tpu.memory_space<vmem>>, vector<1x64xf32>
    %add3A_74 = arith.addf %dot_general3A_70, %get3A_73 : vector<1x64xf32>
    %max3A_75 = arith.constant 0.000000e+00 : f32
    %max3A_76 = vector.broadcast %max3A_75 : f32 to vector<1x64xf32>
    %max3A_77 = arith.maximumf %add3A_74, %max3A_76 : vector<1x64xf32>
    %get3A_78 = arith.constant 0 : index
    %get3A_79 = arith.constant 0 : index
    %get3A_80 = vector.load %arg9[%get3A_78, %get3A_79] : memref<64x128xf32, #tpu.memory_space<vmem>>, vector<64x128xf32>
    %dot_general3A_81 = arith.constant dense<0.000000e+00> : vector<1x128xf32>
    %dot_general3A_82 = tpu.matmul %max3A_77, %get3A_80, %dot_general3A_81 {dimension_numbers = #tpu.dot_dimension_numbers<[1], [0], [0], [1], [0, 0, 1, 1], [], []>, transpose_lhs_hint = false} : vector<1x64xf32>, vector<64x128xf32>, vector<1x128xf32> -> vector<1x128xf32>
    %get3A_83 = arith.constant 0 : index
    %get3A_84 = arith.constant 0 : index
    %get3A_85 = vector.load %arg10[%get3A_83, %get3A_84] : memref<1x128xf32, #tpu.memory_space<vmem>>, vector<1x128xf32>
    %add3A_86 = arith.addf %dot_general3A_82, %get3A_85 : vector<1x128xf32>
    %swap3A = arith.constant 0 : index
    %swap3A_87 = arith.constant 0 : index
    %swap3A_88 = vector.load %arg11[%swap3A, %swap3A_87] : memref<1x128xf32, #tpu.memory_space<vmem>>, vector<1x128xf32>
    tpu.vector_store %arg11[%swap3A, %swap3A_87], %add3A_86 {strides = array<i32>} : memref<1x128xf32, #tpu.memory_space<vmem>>, vector<1x128xf32>,
    return
  }
}

</mosaic_0001>

<sc_bundles>
// kernel: kernel.11.cloned.1.call-start
scs
__scs_entry_jumppad:
0x0: {  	(pc) =	sbr.rel $0x88, $3  }
0x1: {  	(tag) =	ssettag $0x0;
	lr =	simm.s32 $0x1  }
0x2: {  	[smem:$0x3F8F] =	sst lr;
	_ =	strace $0xD0000000  }
0x3: {  	_ = 	snop  }
0x4: {  	_ = 	snop  }
0x5: {  	_ = 	snop  }
0x6: {  	_ = 	snop  }
0x7: {  	_ = 	snop  }
__scs_overlays_trampoline_lowered:
0x8: {  	[smem:$0x3F9E] =	sst s0  }
0x9: {  	[smem:$0x3F9F] =	sst s1  }
0xa: {  	[smem:$0x3FA0] =	sst s2  }
0xb: {  	[smem:$0x3FA1] =	sst s3  }
0xc: {  	[smem:$0x3FA2] =	sst s4  }
0xd: {  	[smem:$0x3FA3] =	sst s5  }
0xe: {  	[smem:$0x3FA4] =	sst s6  }
0xf: {  	[smem:$0x3FA5] =	sst s7  }
0x10: {  	[smem:$0x3FA6] =	sst s8  }
0x11: {  	[smem:$0x3FA7] =	sst s9;
	s0 =	simm.s32 @!p0 $0x0  }
0x12: {  	s1 =	sld [smem:$0x3F8D];
	s0 =	simm.s32 @p0 $0x1  }
0x13: {  	[smem:$0x3FA8] =	sst s0;
	s0 =	simm.s32 @!p1 $0x0  }
0x14: {  	s2 =	sld [smem:$0x3F8C];
	s0 =	simm.s32 @p1 $0x1  }
0x15: {  	[smem:$0x3FA9] =	sst s0;
	s0 =	simm.s32 @!p2 $0x0  }
0x16: {  	s3 =	sld [smem:$0x3FDB];
	s0 =	simm.s32 @p2 $0x1  }
0x17: {  	s4 =	simm.s32 $0x1BF5;
	[smem:$0x3FAB] =	sst s0  }
0x18: {  	s0 =	sld [smem:$0x3F8E];
	_ =	swait.ge [sflag:s4], $0x0  }
0x19: {  	s7 =	sld [smem:$0x3F8F]  }
0x1a: {  	s8 =	sadd.s32 $0xFFFFE003, lr  }
0x1b: {  	s9 =	sadd.s32 $0xFFFFFEF7, lr;
	s5 =	simm.s32 $0xFFFFFFFF;
	p2 =	slt.u32 s8, $0xFFFFF086  }
0x1c: {  	p1 =	slt.u32 s9, $0xF7A;
	s5 =	simm.s32 @!p2 $0x0  }
0x1d: {  	s5 =	simm.s32 @p1 $0x1;
	p0 =	seq.s32 s7, s2  }
0x1e: {  	s7 =	smul.u32 @!p0 $0xF7A, s2;
	p2 =	seq.s32 @!p0 s5, $0x0  }
0x1f: {  	s9 =	smul.u32 $0xF7A, s1;
	s8 =	simm.s32 @!p0 $0x1BF5;
	p2 =	por !p2, p0  }
0x20: {  	[sflag:s8] =	ssyncset.s32 @!p0 $0xFFFFF086;
	s6 =	sadd.s32 @!p0 s3, s7;
	s7 =	simm.s32 @!p0 $0x108  }
0x21: {  	s3 =	sadd.s32 s3, s9;
	s6 =	sadd.s32 @!p0 $0x88, s6;
	s7 =	simm.s32 @p2 $0x1082  }
0x22: {  	[simem:s7], [sflag:s8] =	dma.local @!p0 [hbm:s6], $0xF7A  }
0x23: {  	s9 =	sor.u32 $0xD0000000, s2;
	s6 =	simm.s32 $0x108;
	_ =	swait.ge @!p0 [sflag:s8], $0x0  }
0x24: {  	s3 =	sadd.s32 $0x88, s3;
	s6 =	simm.s32 @!p1 $0x1082;
	[sflag:s4] =	ssyncset.s32 $0xFFFFF086  }
0x25: {  	[simem:s6], [sflag:s4] =	dma.local [hbm:s3], $0xF7A  }
0x26: {  	[smem:$0x3F8F] =	sst s1;
	(tag) =	ssettag s2;
	_ =	strace s9  }
0x27: {  	s1 =	sld [smem:$0x3F9F]  }
0x28: {  	s2 =	sld [smem:$0x3FA0]  }
0x29: {  	s4 =	sld [smem:$0x3FA2]  }
0x2a: {  	p0 =	seq.s32 s5, $0x0;
	s5 =	sld [smem:$0x3FA3]  }
0x2b: {  	s6 =	sld [smem:$0x3FA4]  }
0x2c: {  	s7 =	sld [smem:$0x3FA5]  }
0x2d: {  	s3 =	simm.s32 $0x108;
	s8 =	sld [smem:$0x3FA6]  }
0x2e: {  	s3 =	simm.s32 @!p0 $0x1082;
	s9 =	sld [smem:$0x3FA7]  }
0x2f: {  	lr =	sadd.s32 s0, s3;
	s0 =	sld [smem:$0x3F9E]  }
0x30: {  	s3 =	sld [smem:$0x3FA1]  }
0x31: {  	[smem:$0x3FAA] =	sst s10  }
0x32: {  	s10 =	sld [smem:$0x3FA8];
	_ =	sdelay $0x3  }
0x33: {  	p0 =	seq.s32 s10, $0x1;
	s10 =	sld [smem:$0x3FAA];
	_ =	sdelay $0x3  }
0x34: {  	[smem:$0x3FAA] =	sst s10  }
0x35: {  	s10 =	sld [smem:$0x3FA9];
	_ =	sdelay $0x3  }
0x36: {  	p1 =	seq.s32 s10, $0x1;
	s10 =	sld [smem:$0x3FAA];
	_ =	sdelay $0x3  }
0x37: {  	[smem:$0x3FAA] =	sst s10  }
0x38: {  	s10 =	sld [smem:$0x3FAB]  }
0x39: {  	_ = 	snop;
	(pc) =	sbr.ind lr, $3  }
0x3a: {  	_ = 	snop  }
0x3b: {  	_ = 	snop  }
0x3c: {  	p2 =	seq.s32 s10, $0x1;
	s10 =	sld [smem:$0x3FAA]  }
0x3d: {  	_ =	shalt  }
0x3e: {  	_ =	shalt  }
0x3f: {  	_ =	shalt  }
0x40: {  	_ =	shalt  }
0x41: {  	_ =	shalt  }
0x42: {  	_ =	shalt  }
0x43: {  	_ =	shalt  }
0x44: {  	_ =	shalt  }
0x45: {  	_ =	shalt  }
0x46: {  	_ =	shalt  }
0x47: {  	_ =	shalt  }
0x48: {  	_ =	shalt  }
0x49: {  	_ =	shalt  }
0x4a: {  	_ =	shalt  }
0x4b: {  	_ =	shalt  }
0x4c: {  	_ =	shalt  }
0x4d: {  	_ =	shalt  }
0x4e: {  	_ =	shalt  }
0x4f: {  	_ =	shalt  }
0x50: {  	_ =	shalt  }
0x51: {  	_ =	shalt  }
0x52: {  	_ =	shalt  }
0x53: {  	_ =	shalt  }
0x54: {  	_ =	shalt  }
0x55: {  	_ =	shalt  }
0x56: {  	_ =	shalt  }
0x57: {  	_ =	shalt  }
0x58: {  	_ =	shalt  }
0x59: {  	_ =	shalt  }
0x5a: {  	_ =	shalt  }
0x5b: {  	_ =	shalt  }
0x5c: {  	_ =	shalt  }
0x5d: {  	_ =	shalt  }
0x5e: {  	_ =	shalt  }
0x5f: {  	_ =	shalt  }
0x60: {  	_ =	shalt  }
0x61: {  	_ =	shalt  }
0x62: {  	_ =	shalt  }
0x63: {  	_ =	shalt  }
0x64: {  	_ =	shalt  }
0x65: {  	_ =	shalt  }
0x66: {  	_ =	shalt  }
0x67: {  	_ =	shalt  }
0x68: {  	_ =	shalt  }
0x69: {  	_ =	shalt  }
0x6a: {  	_ =	shalt  }
0x6b: {  	_ =	shalt  }
0x6c: {  	_ =	shalt  }
0x6d: {  	_ =	shalt  }
0x6e: {  	_ =	shalt  }
0x6f: {  	_ =	shalt  }
0x70: {  	_ =	shalt  }
0x71: {  	_ =	shalt  }
0x72: {  	_ =	shalt  }
0x73: {  	_ =	shalt  }
0x74: {  	_ =	shalt  }
0x75: {  	_ =	shalt  }
0x76: {  	_ =	shalt  }
0x77: {  	_ =	shalt  }
0x78: {  	_ =	shalt  }
0x79: {  	_ =	shalt  }
0x7a: {  	_ =	shalt  }
0x7b: {  	_ =	shalt  }
0x7c: {  	_ =	shalt  }
0x7d: {  	_ =	shalt  }
0x7e: {  	_ =	shalt  }
0x7f: {  	_ =	shalt  }
0x80: {  	_ =	shalt  }
0x81: {  	_ =	shalt  }
0x82: {  	_ =	shalt  }
0x83: {  	_ =	shalt  }
0x84: {  	_ =	shalt  }
0x85: {  	_ =	shalt  }
0x86: {  	_ =	shalt  }
0x87: {  	_ =	shalt  }
.Lfunc_end0:
.L_simem_size_0:
called_computation_lowered:
.L_overlay_start_0:
0x88: {  	s2 =	sld [smem:$0x3FD9]  }
0x89: {  	s3 =	sld [smem:$0x3FFE];
	_ =	sdelay $0x1  }
0x8a: {  	s1 =	srdreg.scid  }
0x8b: {  	s0 =	sand.u32 $0x1, s1  }
0x8c: {  	s16 =	sshll.u32 s0, $0xA;
	s2 =	sadd.s32 s3, s2  }
0x8d: {  	s2 =	sadd.s32 s2, s16  }
0x8e: {  	[smem:$0x3FB6] =	sst s2  }
0x8f: {  	_ = 	snop  }
0x90: {  	(tm) =	ssettm $0x1  }
0x91: {  	s17 =	sld [smem:$0x3FFB];
	_ =	sdelay $0x3  }
0x92: {  	_ =	strace s17  }
0x93: {  	s2 =	sld [smem:$0x3FFC];
	_ =	sdelay $0x3  }
0x94: {  	_ =	strace s2  }
0x95: {  	s2 =	sld [smem:$0x3FFD];
	_ =	sdelay $0x3  }
0x96: {  	_ =	strace s2  }
0x97: {  	_ =	strace $0x8FFFFFFF  }
0x98: {  	s18 =	sld [smem:$0x3FDB];
	_ =	sdelay $0x1  }
0x99: {  	s19 =	simm.s32 $_scs_section_size  }
0x9a: {  	s4 =	simm.s32 $_size__tile_overlayer_lowered;
	s5 =	simm.s32 $_tile_overlayer_lowered  }
0x9b: {  	s22 =	simm.s32 $0x1BFF;
	s21 =	sshll.u32 s5, $0x1;
	s2 =	sadd.s32 s19, s18  }
0x9c: {  	s6 =	simm.s32 $0x0;
	s20 =	sshll.u32 s4, $0x1;
	s4 =	sadd.s32 s21, s2  }
0x9d: {  	[timem:s6], [sflag:s22] =	dma.local [hbm:s4], s20  }
0x9e: {  	_ =	swait.ge [sflag:s22], s20  }
0x9f: {  	s3 =	ssub.s32 $0x0, s20;
	[sflag:s22] =	ssyncset.done $0x0  }
0xa0: {  	[sflag:s22] =	ssyncadd.s32 s3;
	_ =	sdelay $0x1  }
0xa1: {  	s23 =	simm.s32 $0x1B8B  }
0xa2: {  	_ =	swait.ge [sflag:s23], $0x1  }
0xa3: {  	[sflag:s23] =	ssyncset.done $0x0  }
0xa4: {  	s25 =	simm.s32 $0x1B8E;
	s24 =	sld [smem:$0x3FFE];
	[sflag:s23] =	ssyncadd.s32 $0xFFFFFFFF  }
0xa5: {  	s26 =	simm.s32 $execute0_lowered;
	[smem:$0x3FD2] =	sst s25  }
0xa6: {  	s4 =	sshll.u32 s26, $0x1;
	_ =	strace $0x80000046;
	[dreg:$0x1] =	wrdreg $0xFFFFFFFF  }
0xa7: {  	s28 =	simm.s32 $_size_execute0_lowered;
	s2 =	sadd.s32 s2, s4;
	[dreg:$0x0] =	wrdreg $0x0  }
0xa8: {  	s4 =	sshll.u32 s28, $0x1;
	[dreg:$0x2] =	wrdreg s2  }
0xa9: {  	[dreg:$0x3] =	wrdreg s4  }
0xaa: {  	[dreg:$0x4] =	wrdreg $0xC0  }
0xab: {  	_ =	task [dreg:s6], $0x5FFFF  }
0xac: {  	[dreg:$0x1] =	wrdreg $0xFFFFFFFF  }
0xad: {  	[dreg:$0x0] =	wrdreg $0x60  }
0xae: {  	[dreg:$0x2] =	wrdreg s24  }
0xaf: {  	[dreg:$0x3] =	wrdreg $0x0  }
0xb0: {  	[dreg:$0x4] =	wrdreg $0x9  }
0xb1: {  	_ =	task.clear_ibuf [dreg:s6], $0x5FFFF;
	_ =	strace $0x90000046  }
0xb2: {  	s29 =	simm.s32 $0x9;
	_ =	strace $0x80000048  }
0xb3: {  	_ =	swait.ge [sflag:s29], $0x1  }
0xb4: {  	[sflag:s29] =	ssyncadd.s32 $0xFFFFFFFF  }
0xb5: {  	_ =	strace $0x90000048  }
0xb6: {  	_ =	sfence  }
0xb7: {  	s30 =	sld [smem:$0x0];
	_ =	sdelay $0x2  }
0xb8: {  	s31 =	sshll.u32 s1, $0xD;
	s1 =	sshrl.u32 s1, $0x2  }
0xb9: {  	s3 =	sand.u32 $0x4000, s31;
	s1 =	sadd.s32 s1, s30  }
0xba: {  	s0 =	sor.u32 s3, s0;
	s1 =	sshll.u32 s1, $0x11  }
0xbb: {  	s0 =	sor.u32 s1, s0  }
0xbc: {  	s0 =	sadd.s32 $0x8F2B, s0  }
0xbd: {  	[sflag:s0] =	ssyncadd.remote.s32 $0x1  }
0xbe: {  	_ =	sfence.sel $0xFFFF  }
0xbf: {  	[dreg:$0x0] =	wrdreg $0xFFFFFFFF;
	(pc) =	sbr.abs _section_cstart, $3  }
0xc0: {  	[dreg:$0x1] =	wrdreg $0xFFFFFFFF  }
0xc1: {  	_ =	task.clear_ibuf [dreg:s6], $0x2FFFF;
	_ =	strace $0x9FFFFFFF  }
0xc2: {  	(tm) =	ssettm $0x7FFFFFFF  }
0xc3: {  	_ =	shalt  }
tec
execute0_lowered:
.L_overlay_start_1:
0x0: {  	(tag) =	ssettag $0x1  }
0x1: {  	s22 =	rddreg [dreg:$0x0]  }
0x2: {  	s2 =	rddreg [dreg:$0x1]  }
0x3: {  	s0 =	stileid.u32;
	s1 =	rddreg [dreg:$0x2]  }
0x4: {  	s3 =	simm.s32 $0x0;
	s5 =	srdreg.scid;
	s23 =	smul.u32 $0x2800, s0  }
0x5: {  	[smem:$0x7FF] =	sst s3;
	s24 =	sand.u32 $0x1, s5  }
0x6: {  	s29 =	sshll.u32 s0, $0x6;
	_ =	strace $0x80000047;
	s4 =	sshrl.u32 s23, $0x3  }
0x7: {  	s5 =	sor.u32 $0x1C01, s29;
	s6 =	sadd.s32 s23, s2;
	s4 =	sadd.s32 s4, s22  }
0x8: {  	s7 =	sshrl.u32 s6, $0x3;
	s6 =	simm.s32 $0x1;
	s4 =	sadd.s32 $0xEE00, s4  }
0x9: {  	[spmem:s7], [sflag:s5] =	dma.local [hbm:s4], $0x500  }
0xa: {  	s9 =	sshll.u32 s24, $0x4;
	_ =	swait.ge [sflag:s6], $0x500  }
0xb: {  	s8 =	sadd.s32 $0xE600, s22;
	s9 =	sor.u32 s0, s9;
	[sflag:s6] =	ssyncset.done $0x0  }
0xc: {  	s10 =	smul.u32 $0x2800, s9;
	s9 =	simm.s32 $0x2C00;
	[sflag:s6] =	ssyncadd.s32 $0xFFFFFB00  }
0xd: {  	[tilespmem:s9], [sflag:$0x1] =	stream.linear.gather [hbm4b:s8+s3], $0x4000, $0x38;
	[tilespmem:$0x6C00] =	vst v63  }
0xe: {  	_ =	swait.ge [sflag:s6], $0x4000  }
0xf: {  	s10 =	sshrl.u32 s10, $0x3;
	[sflag:s6] =	ssyncset.done $0x0  }
0x10: {  	s21 =	sadd.s32 s10, s22;
	[sflag:s6] =	ssyncadd.s32 $0xFFFFC000  }
0x11: {  	s11 =	simm.s32 $0x2800;
	s10 =	sadd.s32 $0x4600, s21;
	[bflag:$0x0] =	sbarrier.arrive $0xFFFF  }
0x12: {  	[tilespmem:s11], [sflag:$0x1] =	stream.linear.gather [hbm4b:s10+s3], $0x400, $0x38;
	[tilespmem:$0x6C00] =	vst v63  }
0x13: {  	_ =	swait.ge [sflag:s6], $0x400  }
0x14: {  	[sflag:s6] =	ssyncset.done $0x0  }
0x15: {  	s12 =	simm.s32 $0x400;
	[sflag:s6] =	ssyncadd.s32 $0xFFFFFC00  }
0x16: {  	[spmem:s2] =	stream.indirect.scatter.add.f32 [tilespmem:s9], [sflag:$0x1], $0x10, s11, s12, $0xb8;
	[tilespmem:$0x6C00] =	vst v63  }
0x17: {  	_ =	swait.ge [sflag:s6], $0x4000  }
0x18: {  	[sflag:s6] =	ssyncset.done $0x0  }
0x19: {  	s13 =	sadd.s32 $0x4680, s21;
	[sflag:s6] =	ssyncadd.s32 $0xFFFFC000  }
0x1a: {  	[tilespmem:s11], [sflag:$0x1] =	stream.linear.gather [hbm4b:s13+s3], $0x400, $0x38;
	[tilespmem:$0x6C00] =	vst v63  }
0x1b: {  	_ =	swait.ge [sflag:s6], $0x400  }
0x1c: {  	[sflag:s6] =	ssyncset.done $0x0  }
0x1d: {  	[sflag:s6] =	ssyncadd.s32 $0xFFFFFC00  }
0x1e: {  	[spmem:s2] =	stream.indirect.scatter.add.f32 [tilespmem:s9], [sflag:$0x1], $0x10, s11, s12, $0xb8;
	[tilespmem:$0x6C00] =	vst v63  }
0x1f: {  	_ =	swait.ge [sflag:s6], $0x4000  }
0x20: {  	[sflag:s6] =	ssyncset.done $0x0  }
0x21: {  	s14 =	sadd.s32 $0x4700, s21;
	[sflag:s6] =	ssyncadd.s32 $0xFFFFC000  }
0x22: {  	[tilespmem:s11], [sflag:$0x1] =	stream.linear.gather [hbm4b:s14+s3], $0x400, $0x38;
	[tilespmem:$0x6C00] =	vst v63  }
0x23: {  	_ =	swait.ge [sflag:s6], $0x400  }
0x24: {  	[sflag:s6] =	ssyncset.done $0x0  }
0x25: {  	[sflag:s6] =	ssyncadd.s32 $0xFFFFFC00  }
0x26: {  	[spmem:s2] =	stream.indirect.scatter.add.f32 [tilespmem:s9], [sflag:$0x1], $0x10, s11, s12, $0xb8;
	[tilespmem:$0x6C00] =	vst v63  }
0x27: {  	_ =	swait.ge [sflag:s6], $0x4000  }
0x28: {  	[sflag:s6] =	ssyncset.done $0x0  }
0x29: {  	s15 =	sadd.s32 $0x4780, s21;
	[sflag:s6] =	ssyncadd.s32 $0xFFFFC000  }
0x2a: {  	[tilespmem:s11], [sflag:$0x1] =	stream.linear.gather [hbm4b:s15+s3], $0x400, $0x38;
	[tilespmem:$0x6C00] =	vst v63  }
0x2b: {  	_ =	swait.ge [sflag:s6], $0x400  }
0x2c: {  	[sflag:s6] =	ssyncset.done $0x0  }
0x2d: {  	[sflag:s6] =	ssyncadd.s32 $0xFFFFFC00  }
0x2e: {  	[spmem:s2] =	stream.indirect.scatter.add.f32 [tilespmem:s9], [sflag:$0x1], $0x10, s11, s12, $0xb8;
	[tilespmem:$0x6C00] =	vst v63  }
0x2f: {  	_ =	swait.ge [sflag:s6], $0x4000  }
0x30: {  	[sflag:s6] =	ssyncset.done $0x0  }
0x31: {  	s16 =	sadd.s32 $0x4800, s21;
	[sflag:s6] =	ssyncadd.s32 $0xFFFFC000  }
0x32: {  	[tilespmem:s11], [sflag:$0x1] =	stream.linear.gather [hbm4b:s16+s3], $0x400, $0x38;
	[tilespmem:$0x6C00] =	vst v63  }
0x33: {  	_ =	swait.ge [sflag:s6], $0x400  }
0x34: {  	[sflag:s6] =	ssyncset.done $0x0  }
0x35: {  	[sflag:s6] =	ssyncadd.s32 $0xFFFFFC00  }
0x36: {  	[spmem:s2] =	stream.indirect.scatter.add.f32 [tilespmem:s9], [sflag:$0x1], $0x10, s11, s12, $0xb8;
	[tilespmem:$0x6C00] =	vst v63  }
0x37: {  	_ =	swait.ge [sflag:s6], $0x4000  }
0x38: {  	[sflag:s6] =	ssyncset.done $0x0  }
0x39: {  	s17 =	sadd.s32 $0x4880, s21;
	[sflag:s6] =	ssyncadd.s32 $0xFFFFC000  }
0x3a: {  	[tilespmem:s11], [sflag:$0x1] =	stream.linear.gather [hbm4b:s17+s3], $0x400, $0x38;
	[tilespmem:$0x6C00] =	vst v63  }
0x3b: {  	_ =	swait.ge [sflag:s6], $0x400  }
0x3c: {  	[sflag:s6] =	ssyncset.done $0x0  }
0x3d: {  	[sflag:s6] =	ssyncadd.s32 $0xFFFFFC00  }
0x3e: {  	[spmem:s2] =	stream.indirect.scatter.add.f32 [tilespmem:s9], [sflag:$0x1], $0x10, s11, s12, $0xb8;
	[tilespmem:$0x6C00] =	vst v63  }
0x3f: {  	_ =	swait.ge [sflag:s6], $0x4000  }
0x40: {  	[sflag:s6] =	ssyncset.done $0x0  }
0x41: {  	s18 =	sadd.s32 $0x4900, s21;
	[sflag:s6] =	ssyncadd.s32 $0xFFFFC000  }
0x42: {  	[tilespmem:s11], [sflag:$0x1] =	stream.linear.gather [hbm4b:s18+s3], $0x400, $0x38;
	[tilespmem:$0x6C00] =	vst v63  }
0x43: {  	_ =	swait.ge [sflag:s6], $0x400  }
0x44: {  	[sflag:s6] =	ssyncset.done $0x0  }
0x45: {  	[sflag:s6] =	ssyncadd.s32 $0xFFFFFC00  }
0x46: {  	[spmem:s2] =	stream.indirect.scatter.add.f32 [tilespmem:s9], [sflag:$0x1], $0x10, s11, s12, $0xb8;
	[tilespmem:$0x6C00] =	vst v63  }
0x47: {  	_ =	swait.ge [sflag:s6], $0x4000  }
0x48: {  	[sflag:s6] =	ssyncset.done $0x0  }
0x49: {  	s19 =	sadd.s32 $0x4980, s21;
	[sflag:s6] =	ssyncadd.s32 $0xFFFFC000  }
0x4a: {  	[tilespmem:s11], [sflag:$0x1] =	stream.linear.gather [hbm4b:s19+s3], $0x400, $0x38;
	[tilespmem:$0x6C00] =	vst v63  }
0x4b: {  	_ =	swait.ge [sflag:s6], $0x400  }
0x4c: {  	[sflag:s6] =	ssyncset.done $0x0  }
0x4d: {  	[sflag:s6] =	ssyncadd.s32 $0xFFFFFC00  }
0x4e: {  	[spmem:s2] =	stream.indirect.scatter.add.f32 [tilespmem:s9], [sflag:$0x1], $0x10, s11, s12, $0xb8;
	[tilespmem:$0x6C00] =	vst v63  }
0x4f: {  	_ =	swait.ge [sflag:s6], $0x4000  }
0x50: {  	[sflag:s6] =	ssyncset.done $0x0  }
0x51: {  	s20 =	sadd.s32 $0x4A00, s21;
	[sflag:s6] =	ssyncadd.s32 $0xFFFFC000  }
0x52: {  	[tilespmem:s11], [sflag:$0x1] =	stream.linear.gather [hbm4b:s20+s3], $0x400, $0x38;
	[tilespmem:$0x6C00] =	vst v63  }
0x53: {  	_ =	swait.ge [sflag:s6], $0x400  }
0x54: {  	[sflag:s6] =	ssyncset.done $0x0  }
0x55: {  	[sflag:s6] =	ssyncadd.s32 $0xFFFFFC00  }
0x56: {  	[spmem:s2] =	stream.indirect.scatter.add.f32 [tilespmem:s9], [sflag:$0x1], $0x10, s11, s12, $0xb8;
	[tilespmem:$0x6C00] =	vst v63  }
0x57: {  	_ =	swait.ge [sflag:s6], $0x4000  }
0x58: {  	[sflag:s6] =	ssyncset.done $0x0  }
0x59: {  	s25 =	smul.u32 $0x28000, s24;
	s21 =	sadd.s32 $0x4A80, s21;
	[sflag:s6] =	ssyncadd.s32 $0xFFFFC000  }
0x5a: {  	[tilespmem:s11], [sflag:$0x1] =	stream.linear.gather [hbm4b:s21+s3], $0x400, $0x38;
	[tilespmem:$0x6C00] =	vst v63  }
0x5b: {  	s24 =	ssub.s32 $0x2, s24;
	_ =	swait.ge [sflag:s6], $0x400  }
0x5c: {  	s30 =	sshrl.u32 s24, $0x1;
	s23 =	sadd.s32 s23, s25;
	[sflag:s6] =	ssyncset.done $0x0  }
0x5d: {  	s31 =	ssub.s32 s24, s30;
	s23 =	sshrl.u32 s23, $0x3;
	[sflag:s6] =	ssyncadd.s32 $0xFFFFFC00  }
0x5e: {  	[spmem:s2] =	stream.indirect.scatter.add.f32 [tilespmem:s9], [sflag:$0x1], $0x10, s11, s12, $0xb8;
	[tilespmem:$0x6C00] =	vst v63  }
0x5f: {  	s22 =	sadd.s32 s23, s22;
	s23 =	smax.u32 s31, $0x1;
	_ =	swait.ge [sflag:s6], $0x4000  }
0x60: {  	p0 =	sne.s32 s23, $0x1;
	[sflag:s6] =	ssyncset.done $0x0  }
.Ltmp0:
0x61: {  	[sflag:s6] =	ssyncadd.s32 $0xFFFFC000;
	(pc) =	sbr.rel @!p0 .LBB2_2-.Ltmp0, $4  }
0x62: {  	s22 =	sadd.s32 $0x13E00, s22;
	[bflag:$0x0] =	sbarrier.arrive $0xFFFF  }
0x63: {  	[hbm:s22], [sflag:s5] =	dma.local [spmem:s7], $0x500  }
0x64: {  	_ =	swait.ge [sflag:s6], $0x500  }
0x65: {  	s23 =	sadd.s32 $0xFFFFFFFF, s23;
	[sflag:s6] =	ssyncset.done $0x0  }
.LBB2_1:
0x66: {  	p0 =	sne.s32 s23, $0x1;
	s23 =	sadd.s32 $0xFFFFFFFF, s23;
	[sflag:s6] =	ssyncadd.s32 $0xFFFFFB00  }
0x67: {  	[spmem:s7], [sflag:s5] =	dma.local [hbm:s4], $0x500  }
0x68: {  	_ =	swait.ge [sflag:s6], $0x500  }
0x69: {  	[sflag:s6] =	ssyncset.done $0x0  }
0x6a: {  	[sflag:s6] =	ssyncadd.s32 $0xFFFFFB00  }
0x6b: {  	[tilespmem:s9], [sflag:$0x1] =	stream.linear.gather [hbm4b:s8+s3], $0x4000, $0x38;
	[tilespmem:$0x6C00] =	vst v63  }
0x6c: {  	_ =	swait.ge [sflag:s6], $0x4000  }
0x6d: {  	[sflag:s6] =	ssyncset.done $0x0  }
0x6e: {  	[sflag:s6] =	ssyncadd.s32 $0xFFFFC000  }
0x6f: {  	[bflag:$0x0] =	sbarrier.arrive $0xFFFF  }
0x70: {  	[tilespmem:s11], [sflag:$0x1] =	stream.linear.gather [hbm4b:s10+s3], $0x400, $0x38;
	[tilespmem:$0x6C00] =	vst v63  }
0x71: {  	_ =	swait.ge [sflag:s6], $0x400  }
0x72: {  	[sflag:s6] =	ssyncset.done $0x0  }
0x73: {  	[sflag:s6] =	ssyncadd.s32 $0xFFFFFC00  }
0x74: {  	[spmem:s2] =	stream.indirect.scatter.add.f32 [tilespmem:s9], [sflag:$0x1], $0x10, s11, s12, $0xb8;
	[tilespmem:$0x6C00] =	vst v63  }
0x75: {  	_ =	swait.ge [sflag:s6], $0x4000  }
0x76: {  	[sflag:s6] =	ssyncset.done $0x0  }
0x77: {  	[sflag:s6] =	ssyncadd.s32 $0xFFFFC000  }
0x78: {  	[tilespmem:s11], [sflag:$0x1] =	stream.linear.gather [hbm4b:s13+s3], $0x400, $0x38;
	[tilespmem:$0x6C00] =	vst v63  }
0x79: {  	_ =	swait.ge [sflag:s6], $0x400  }
0x7a: {  	[sflag:s6] =	ssyncset.done $0x0  }
0x7b: {  	[sflag:s6] =	ssyncadd.s32 $0xFFFFFC00  }
0x7c: {  	[spmem:s2] =	stream.indirect.scatter.add.f32 [tilespmem:s9], [sflag:$0x1], $0x10, s11, s12, $0xb8;
	[tilespmem:$0x6C00] =	vst v63  }
0x7d: {  	_ =	swait.ge [sflag:s6], $0x4000  }
0x7e: {  	[sflag:s6] =	ssyncset.done $0x0  }
0x7f: {  	[sflag:s6] =	ssyncadd.s32 $0xFFFFC000  }
0x80: {  	[tilespmem:s11], [sflag:$0x1] =	stream.linear.gather [hbm4b:s14+s3], $0x400, $0x38;
	[tilespmem:$0x6C00] =	vst v63  }
0x81: {  	_ =	swait.ge [sflag:s6], $0x400  }
0x82: {  	[sflag:s6] =	ssyncset.done $0x0  }
0x83: {  	[sflag:s6] =	ssyncadd.s32 $0xFFFFFC00  }
0x84: {  	[spmem:s2] =	stream.indirect.scatter.add.f32 [tilespmem:s9], [sflag:$0x1], $0x10, s11, s12, $0xb8;
	[tilespmem:$0x6C00] =	vst v63  }
0x85: {  	_ =	swait.ge [sflag:s6], $0x4000  }
0x86: {  	[sflag:s6] =	ssyncset.done $0x0  }
0x87: {  	[sflag:s6] =	ssyncadd.s32 $0xFFFFC000  }
0x88: {  	[tilespmem:s11], [sflag:$0x1] =	stream.linear.gather [hbm4b:s15+s3], $0x400, $0x38;
	[tilespmem:$0x6C00] =	vst v63  }
0x89: {  	_ =	swait.ge [sflag:s6], $0x400  }
0x8a: {  	[sflag:s6] =	ssyncset.done $0x0  }
0x8b: {  	[sflag:s6] =	ssyncadd.s32 $0xFFFFFC00  }
0x8c: {  	[spmem:s2] =	stream.indirect.scatter.add.f32 [tilespmem:s9], [sflag:$0x1], $0x10, s11, s12, $0xb8;
	[tilespmem:$0x6C00] =	vst v63  }
0x8d: {  	_ =	swait.ge [sflag:s6], $0x4000  }
0x8e: {  	[sflag:s6] =	ssyncset.done $0x0  }
0x8f: {  	[sflag:s6] =	ssyncadd.s32 $0xFFFFC000  }
0x90: {  	[tilespmem:s11], [sflag:$0x1] =	stream.linear.gather [hbm4b:s16+s3], $0x400, $0x38;
	[tilespmem:$0x6C00] =	vst v63  }
0x91: {  	_ =	swait.ge [sflag:s6], $0x400  }
0x92: {  	[sflag:s6] =	ssyncset.done $0x0  }
0x93: {  	[sflag:s6] =	ssyncadd.s32 $0xFFFFFC00  }
0x94: {  	[spmem:s2] =	stream.indirect.scatter.add.f32 [tilespmem:s9], [sflag:$0x1], $0x10, s11, s12, $0xb8;
	[tilespmem:$0x6C00] =	vst v63  }
0x95: {  	_ =	swait.ge [sflag:s6], $0x4000  }
0x96: {  	[sflag:s6] =	ssyncset.done $0x0  }
0x97: {  	[sflag:s6] =	ssyncadd.s32 $0xFFFFC000  }
0x98: {  	[tilespmem:s11], [sflag:$0x1] =	stream.linear.gather [hbm4b:s17+s3], $0x400, $0x38;
	[tilespmem:$0x6C00] =	vst v63  }
0x99: {  	_ =	swait.ge [sflag:s6], $0x400  }
0x9a: {  	[sflag:s6] =	ssyncset.done $0x0  }
0x9b: {  	[sflag:s6] =	ssyncadd.s32 $0xFFFFFC00  }
0x9c: {  	[spmem:s2] =	stream.indirect.scatter.add.f32 [tilespmem:s9], [sflag:$0x1], $0x10, s11, s12, $0xb8;
	[tilespmem:$0x6C00] =	vst v63  }
0x9d: {  	_ =	swait.ge [sflag:s6], $0x4000  }
0x9e: {  	[sflag:s6] =	ssyncset.done $0x0  }
0x9f: {  	[sflag:s6] =	ssyncadd.s32 $0xFFFFC000  }
0xa0: {  	[tilespmem:s11], [sflag:$0x1] =	stream.linear.gather [hbm4b:s18+s3], $0x400, $0x38;
	[tilespmem:$0x6C00] =	vst v63  }
0xa1: {  	_ =	swait.ge [sflag:s6], $0x400  }
0xa2: {  	[sflag:s6] =	ssyncset.done $0x0  }
0xa3: {  	[sflag:s6] =	ssyncadd.s32 $0xFFFFFC00  }
0xa4: {  	[spmem:s2] =	stream.indirect.scatter.add.f32 [tilespmem:s9], [sflag:$0x1], $0x10, s11, s12, $0xb8;
	[tilespmem:$0x6C00] =	vst v63  }
0xa5: {  	_ =	swait.ge [sflag:s6], $0x4000  }
0xa6: {  	[sflag:s6] =	ssyncset.done $0x0  }
0xa7: {  	[sflag:s6] =	ssyncadd.s32 $0xFFFFC000  }
0xa8: {  	[tilespmem:s11], [sflag:$0x1] =	stream.linear.gather [hbm4b:s19+s3], $0x400, $0x38;
	[tilespmem:$0x6C00] =	vst v63  }
0xa9: {  	_ =	swait.ge [sflag:s6], $0x400  }
0xaa: {  	[sflag:s6] =	ssyncset.done $0x0  }
0xab: {  	[sflag:s6] =	ssyncadd.s32 $0xFFFFFC00  }
0xac: {  	[spmem:s2] =	stream.indirect.scatter.add.f32 [tilespmem:s9], [sflag:$0x1], $0x10, s11, s12, $0xb8;
	[tilespmem:$0x6C00] =	vst v63  }
0xad: {  	_ =	swait.ge [sflag:s6], $0x4000  }
0xae: {  	[sflag:s6] =	ssyncset.done $0x0  }
0xaf: {  	[sflag:s6] =	ssyncadd.s32 $0xFFFFC000  }
0xb0: {  	[tilespmem:s11], [sflag:$0x1] =	stream.linear.gather [hbm4b:s20+s3], $0x400, $0x38;
	[tilespmem:$0x6C00] =	vst v63  }
0xb1: {  	_ =	swait.ge [sflag:s6], $0x400  }
0xb2: {  	[sflag:s6] =	ssyncset.done $0x0  }
0xb3: {  	[sflag:s6] =	ssyncadd.s32 $0xFFFFFC00  }
0xb4: {  	[spmem:s2] =	stream.indirect.scatter.add.f32 [tilespmem:s9], [sflag:$0x1], $0x10, s11, s12, $0xb8;
	[tilespmem:$0x6C00] =	vst v63  }
0xb5: {  	_ =	swait.ge [sflag:s6], $0x4000  }
0xb6: {  	[sflag:s6] =	ssyncset.done $0x0  }
0xb7: {  	[sflag:s6] =	ssyncadd.s32 $0xFFFFC000  }
0xb8: {  	[tilespmem:s11], [sflag:$0x1] =	stream.linear.gather [hbm4b:s21+s3], $0x400, $0x38;
	[tilespmem:$0x6C00] =	vst v63  }
0xb9: {  	_ =	swait.ge [sflag:s6], $0x400  }
0xba: {  	[sflag:s6] =	ssyncset.done $0x0  }
0xbb: {  	[sflag:s6] =	ssyncadd.s32 $0xFFFFFC00  }
0xbc: {  	[spmem:s2] =	stream.indirect.scatter.add.f32 [tilespmem:s9], [sflag:$0x1], $0x10, s11, s12, $0xb8;
	[tilespmem:$0x6C00] =	vst v63  }
0xbd: {  	_ =	swait.ge [sflag:s6], $0x4000  }
0xbe: {  	[sflag:s6] =	ssyncset.done $0x0  }
.Ltmp1:
0xbf: {  	[sflag:s6] =	ssyncadd.s32 $0xFFFFC000;
	(pc) =	sbr.rel @p0 .LBB2_1-.Ltmp1, $4  }
0xc0: {  	[bflag:$0x0] =	sbarrier.arrive $0xFFFF  }
0xc1: {  	[hbm:s22], [sflag:s5] =	dma.local [spmem:s7], $0x500  }
0xc2: {  	_ =	swait.ge [sflag:s6], $0x500  }
0xc3: {  	[sflag:s6] =	ssyncset.done $0x0  }
.LBB2_2:
0xc4: {  	[sflag:s6] =	ssyncadd.s32 $0xFFFFFB00  }
0xc5: {  	_ =	sfence.sel $0x180000  }
0xc6: {  	[bflag:$0x0] =	sbarrier.arrive $0xFFFF  }
0xc7: {  	p0 =	sne.s32 s0, $0x0;
	_ =	strace $0x90000047  }
0xc8: {  	s0 =	sadd.s32 @!p0 $0x100000, s1;
	[bflag:$0x2] =	sbarrier.arrive $0xFFFF  }
0xc9: {  	[sflag:s0] =	ssyncadd.tile.s32 @!p0 $0x1;
	_ =	shalt  }
.Lfunc_end2:
_tile_overlayer_lowered:
.L_overlay_start_2:
0xca: {  	(tag) =	ssettag $0x2  }
0xcb: {  	s0 =	rddreg [dreg:$0x0];
	s2 =	stileid.u32  }
0xcc: {  	s1 =	rddreg [dreg:$0x1];
	p0 =	sne.s32 s2, $0x0  }
0xcd: {  	s3 =	rddreg [dreg:$0x2];
	[bflag:$0x3] =	sbarrier.arrive $0xFFFF;
	s2 =	simm.s32 @!p0 $0x1C01  }
0xce: {  	[timem:s3], [sflag:s2] =	dma.local @!p0 [hbm:s0], s1  }
0xcf: {  	s0 =	simm.s32 @!p0 $0x1  }
0xd0: {  	_ =	swait.ge @!p0 [sflag:s0], s1  }
0xd1: {  	s1 =	ssub.s32 @!p0 $0x0, s1;
	[sflag:s0] =	ssyncset.done @!p0 $0x0  }
0xd2: {  	[sflag:s0] =	ssyncadd.s32 @!p0 s1  }
0xd3: {  	[bflag:$0x3] =	sbarrier.arrive $0xFFFF  }
0xd4: {  	_ =	shalt  }

// kernel: kernel.14.cloned.1.call-start
scs
__scs_entry_jumppad:
0x0: {  	(pc) =	sbr.rel $0x88, $3  }
0x1: {  	(tag) =	ssettag $0x0;
	lr =	simm.s32 $0x1  }
0x2: {  	[smem:$0x3F8F] =	sst lr;
	_ =	strace $0xD0000000  }
0x3: {  	_ = 	snop  }
0x4: {  	_ = 	snop  }
0x5: {  	_ = 	snop  }
0x6: {  	_ = 	snop  }
0x7: {  	_ = 	snop  }
__scs_overlays_trampoline_lowered:
0x8: {  	[smem:$0x3F9E] =	sst s0  }
0x9: {  	[smem:$0x3F9F] =	sst s1  }
0xa: {  	[smem:$0x3FA0] =	sst s2  }
0xb: {  	[smem:$0x3FA1] =	sst s3  }
0xc: {  	[smem:$0x3FA2] =	sst s4  }
0xd: {  	[smem:$0x3FA3] =	sst s5  }
0xe: {  	[smem:$0x3FA4] =	sst s6  }
0xf: {  	[smem:$0x3FA5] =	sst s7  }
0x10: {  	[smem:$0x3FA6] =	sst s8  }
0x11: {  	[smem:$0x3FA7] =	sst s9;
	s0 =	simm.s32 @!p0 $0x0  }
0x12: {  	s1 =	sld [smem:$0x3F8D];
	s0 =	simm.s32 @p0 $0x1  }
0x13: {  	[smem:$0x3FA8] =	sst s0;
	s0 =	simm.s32 @!p1 $0x0  }
0x14: {  	s2 =	sld [smem:$0x3F8C];
	s0 =	simm.s32 @p1 $0x1  }
0x15: {  	[smem:$0x3FA9] =	sst s0;
	s0 =	simm.s32 @!p2 $0x0  }
0x16: {  	s3 =	sld [smem:$0x3FDB];
	s0 =	simm.s32 @p2 $0x1  }
0x17: {  	s4 =	simm.s32 $0x1BF5;
	[smem:$0x3FAB] =	sst s0  }
0x18: {  	s0 =	sld [smem:$0x3F8E];
	_ =	swait.ge [sflag:s4], $0x0  }
0x19: {  	s7 =	sld [smem:$0x3F8F]  }
0x1a: {  	s8 =	sadd.s32 $0xFFFFE003, lr  }
0x1b: {  	s9 =	sadd.s32 $0xFFFFFEF7, lr;
	s5 =	simm.s32 $0xFFFFFFFF;
	p2 =	slt.u32 s8, $0xFFFFF086  }
0x1c: {  	p1 =	slt.u32 s9, $0xF7A;
	s5 =	simm.s32 @!p2 $0x0  }
0x1d: {  	s5 =	simm.s32 @p1 $0x1;
	p0 =	seq.s32 s7, s2  }
0x1e: {  	s7 =	smul.u32 @!p0 $0xF7A, s2;
	p2 =	seq.s32 @!p0 s5, $0x0  }
0x1f: {  	s9 =	smul.u32 $0xF7A, s1;
	s8 =	simm.s32 @!p0 $0x1BF5;
	p2 =	por !p2, p0  }
0x20: {  	[sflag:s8] =	ssyncset.s32 @!p0 $0xFFFFF086;
	s6 =	sadd.s32 @!p0 s3, s7;
	s7 =	simm.s32 @!p0 $0x108  }
0x21: {  	s3 =	sadd.s32 s3, s9;
	s6 =	sadd.s32 @!p0 $0x88, s6;
	s7 =	simm.s32 @p2 $0x1082  }
0x22: {  	[simem:s7], [sflag:s8] =	dma.local @!p0 [hbm:s6], $0xF7A  }
0x23: {  	s9 =	sor.u32 $0xD0000000, s2;
	s6 =	simm.s32 $0x108;
	_ =	swait.ge @!p0 [sflag:s8], $0x0  }
0x24: {  	s3 =	sadd.s32 $0x88, s3;
	s6 =	simm.s32 @!p1 $0x1082;
	[sflag:s4] =	ssyncset.s32 $0xFFFFF086  }
0x25: {  	[simem:s6], [sflag:s4] =	dma.local [hbm:s3], $0xF7A  }
0x26: {  	[smem:$0x3F8F] =	sst s1;
	(tag) =	ssettag s2;
	_ =	strace s9  }
0x27: {  	s1 =	sld [smem:$0x3F9F]  }
0x28: {  	s2 =	sld [smem:$0x3FA0]  }
0x29: {  	s4 =	sld [smem:$0x3FA2]  }
0x2a: {  	p0 =	seq.s32 s5, $0x0;
	s5 =	sld [smem:$0x3FA3]  }
0x2b: {  	s6 =	sld [smem:$0x3FA4]  }
0x2c: {  	s7 =	sld [smem:$0x3FA5]  }
0x2d: {  	s3 =	simm.s32 $0x108;
	s8 =	sld [smem:$0x3FA6]  }
0x2e: {  	s3 =	simm.s32 @!p0 $0x1082;
	s9 =	sld [smem:$0x3FA7]  }
0x2f: {  	lr =	sadd.s32 s0, s3;
	s0 =	sld [smem:$0x3F9E]  }
0x30: {  	s3 =	sld [smem:$0x3FA1]  }
0x31: {  	[smem:$0x3FAA] =	sst s10  }
0x32: {  	s10 =	sld [smem:$0x3FA8];
	_ =	sdelay $0x3  }
0x33: {  	p0 =	seq.s32 s10, $0x1;
	s10 =	sld [smem:$0x3FAA];
	_ =	sdelay $0x3  }
0x34: {  	[smem:$0x3FAA] =	sst s10  }
0x35: {  	s10 =	sld [smem:$0x3FA9];
	_ =	sdelay $0x3  }
0x36: {  	p1 =	seq.s32 s10, $0x1;
	s10 =	sld [smem:$0x3FAA];
	_ =	sdelay $0x3  }
0x37: {  	[smem:$0x3FAA] =	sst s10  }
0x38: {  	s10 =	sld [smem:$0x3FAB]  }
0x39: {  	_ = 	snop;
	(pc) =	sbr.ind lr, $3  }
0x3a: {  	_ = 	snop  }
0x3b: {  	_ = 	snop  }
0x3c: {  	p2 =	seq.s32 s10, $0x1;
	s10 =	sld [smem:$0x3FAA]  }
0x3d: {  	_ =	shalt  }
0x3e: {  	_ =	shalt  }
0x3f: {  	_ =	shalt  }
0x40: {  	_ =	shalt  }
0x41: {  	_ =	shalt  }
0x42: {  	_ =	shalt  }
0x43: {  	_ =	shalt  }
0x44: {  	_ =	shalt  }
0x45: {  	_ =	shalt  }
0x46: {  	_ =	shalt  }
0x47: {  	_ =	shalt  }
0x48: {  	_ =	shalt  }
0x49: {  	_ =	shalt  }
0x4a: {  	_ =	shalt  }
0x4b: {  	_ =	shalt  }
0x4c: {  	_ =	shalt  }
0x4d: {  	_ =	shalt  }
0x4e: {  	_ =	shalt  }
0x4f: {  	_ =	shalt  }
0x50: {  	_ =	shalt  }
0x51: {  	_ =	shalt  }
0x52: {  	_ =	shalt  }
0x53: {  	_ =	shalt  }
0x54: {  	_ =	shalt  }
0x55: {  	_ =	shalt  }
0x56: {  	_ =	shalt  }
0x57: {  	_ =	shalt  }
0x58: {  	_ =	shalt  }
0x59: {  	_ =	shalt  }
0x5a: {  	_ =	shalt  }
0x5b: {  	_ =	shalt  }
0x5c: {  	_ =	shalt  }
0x5d: {  	_ =	shalt  }
0x5e: {  	_ =	shalt  }
0x5f: {  	_ =	shalt  }
0x60: {  	_ =	shalt  }
0x61: {  	_ =	shalt  }
0x62: {  	_ =	shalt  }
0x63: {  	_ =	shalt  }
0x64: {  	_ =	shalt  }
0x65: {  	_ =	shalt  }
0x66: {  	_ =	shalt  }
0x67: {  	_ =	shalt  }
0x68: {  	_ =	shalt  }
0x69: {  	_ =	shalt  }
0x6a: {  	_ =	shalt  }
0x6b: {  	_ =	shalt  }
0x6c: {  	_ =	shalt  }
0x6d: {  	_ =	shalt  }
0x6e: {  	_ =	shalt  }
0x6f: {  	_ =	shalt  }
0x70: {  	_ =	shalt  }
0x71: {  	_ =	shalt  }
0x72: {  	_ =	shalt  }
0x73: {  	_ =	shalt  }
0x74: {  	_ =	shalt  }
0x75: {  	_ =	shalt  }
0x76: {  	_ =	shalt  }
0x77: {  	_ =	shalt  }
0x78: {  	_ =	shalt  }
0x79: {  	_ =	shalt  }
0x7a: {  	_ =	shalt  }
0x7b: {  	_ =	shalt  }
0x7c: {  	_ =	shalt  }
0x7d: {  	_ =	shalt  }
0x7e: {  	_ =	shalt  }
0x7f: {  	_ =	shalt  }
0x80: {  	_ =	shalt  }
0x81: {  	_ =	shalt  }
0x82: {  	_ =	shalt  }
0x83: {  	_ =	shalt  }
0x84: {  	_ =	shalt  }
0x85: {  	_ =	shalt  }
0x86: {  	_ =	shalt  }
0x87: {  	_ =	shalt  }
.Lfunc_end0:
.L_simem_size_0:
called_computation.1_lowered:
.L_overlay_start_0:
0x88: {  	s2 =	sld [smem:$0x3FD9]  }
0x89: {  	s3 =	sld [smem:$0x3FFE];
	_ =	sdelay $0x1  }
0x8a: {  	s1 =	srdreg.scid  }
0x8b: {  	s0 =	sand.u32 $0x1, s1  }
0x8c: {  	s16 =	sshll.u32 s0, $0xA;
	s2 =	sadd.s32 s3, s2  }
0x8d: {  	s2 =	sadd.s32 s2, s16  }
0x8e: {  	[smem:$0x3FB6] =	sst s2  }
0x8f: {  	_ = 	snop  }
0x90: {  	(tm) =	ssettm $0x1  }
0x91: {  	s17 =	sld [smem:$0x3FFB];
	_ =	sdelay $0x3  }
0x92: {  	_ =	strace s17  }
0x93: {  	s2 =	sld [smem:$0x3FFC];
	_ =	sdelay $0x3  }
0x94: {  	_ =	strace s2  }
0x95: {  	s2 =	sld [smem:$0x3FFD];
	_ =	sdelay $0x3  }
0x96: {  	_ =	strace s2  }
0x97: {  	_ =	strace $0x8FFFFFFF  }
0x98: {  	s18 =	sld [smem:$0x3FDB];
	_ =	sdelay $0x1  }
0x99: {  	s19 =	simm.s32 $_scs_section_size  }
0x9a: {  	s4 =	simm.s32 $_size__tile_overlayer_lowered;
	s5 =	simm.s32 $_tile_overlayer_lowered  }
0x9b: {  	s22 =	simm.s32 $0x1BFF;
	s21 =	sshll.u32 s5, $0x1;
	s2 =	sadd.s32 s19, s18  }
0x9c: {  	s6 =	simm.s32 $0x0;
	s20 =	sshll.u32 s4, $0x1;
	s4 =	sadd.s32 s21, s2  }
0x9d: {  	[timem:s6], [sflag:s22] =	dma.local [hbm:s4], s20  }
0x9e: {  	_ =	swait.ge [sflag:s22], s20  }
0x9f: {  	s3 =	ssub.s32 $0x0, s20;
	[sflag:s22] =	ssyncset.done $0x0  }
0xa0: {  	[sflag:s22] =	ssyncadd.s32 s3;
	_ =	sdelay $0x1  }
0xa1: {  	s23 =	simm.s32 $0x1B8B  }
0xa2: {  	_ =	swait.ge [sflag:s23], $0x1  }
0xa3: {  	[sflag:s23] =	ssyncset.done $0x0  }
0xa4: {  	s25 =	simm.s32 $0x1B8E;
	s24 =	sld [smem:$0x3FFE];
	[sflag:s23] =	ssyncadd.s32 $0xFFFFFFFF  }
0xa5: {  	s26 =	simm.s32 $execute0_lowered;
	[smem:$0x3FD2] =	sst s25  }
0xa6: {  	s4 =	sshll.u32 s26, $0x1;
	_ =	strace $0x80000049;
	[dreg:$0x1] =	wrdreg $0xFFFFFFFF  }
0xa7: {  	s28 =	simm.s32 $_size_execute0_lowered;
	s2 =	sadd.s32 s2, s4;
	[dreg:$0x0] =	wrdreg $0x0  }
0xa8: {  	s4 =	sshll.u32 s28, $0x1;
	[dreg:$0x2] =	wrdreg s2  }
0xa9: {  	[dreg:$0x3] =	wrdreg s4  }
0xaa: {  	[dreg:$0x4] =	wrdreg $0xC0  }
0xab: {  	_ =	task [dreg:s6], $0x5FFFF  }
0xac: {  	[dreg:$0x1] =	wrdreg $0xFFFFFFFF  }
0xad: {  	[dreg:$0x0] =	wrdreg $0x60  }
0xae: {  	[dreg:$0x2] =	wrdreg s24  }
0xaf: {  	[dreg:$0x3] =	wrdreg $0x0  }
0xb0: {  	[dreg:$0x4] =	wrdreg $0x50000  }
0xb1: {  	[dreg:$0x5] =	wrdreg $0x9  }
0xb2: {  	_ =	task.clear_ibuf [dreg:s6], $0x6FFFF;
	_ =	strace $0x90000049  }
0xb3: {  	s29 =	simm.s32 $0x9;
	_ =	strace $0x8000004B  }
0xb4: {  	_ =	swait.ge [sflag:s29], $0x1  }
0xb5: {  	[sflag:s29] =	ssyncadd.s32 $0xFFFFFFFF  }
0xb6: {  	_ =	strace $0x9000004B  }
0xb7: {  	_ =	sfence  }
0xb8: {  	s30 =	sld [smem:$0x0];
	_ =	sdelay $0x2  }
0xb9: {  	s31 =	sshll.u32 s1, $0xD;
	s1 =	sshrl.u32 s1, $0x2  }
0xba: {  	s3 =	sand.u32 $0x4000, s31;
	s1 =	sadd.s32 s1, s30  }
0xbb: {  	s0 =	sor.u32 s3, s0;
	s1 =	sshll.u32 s1, $0x11  }
0xbc: {  	s0 =	sor.u32 s1, s0  }
0xbd: {  	s0 =	sadd.s32 $0x8F2B, s0  }
0xbe: {  	[sflag:s0] =	ssyncadd.remote.s32 $0x1  }
0xbf: {  	_ =	sfence.sel $0xFFFF  }
0xc0: {  	[dreg:$0x0] =	wrdreg $0xFFFFFFFF;
	(pc) =	sbr.abs _section_cstart, $3  }
0xc1: {  	[dreg:$0x1] =	wrdreg $0xFFFFFFFF  }
0xc2: {  	_ =	task.clear_ibuf [dreg:s6], $0x2FFFF;
	_ =	strace $0x9FFFFFFF  }
0xc3: {  	(tm) =	ssettm $0x7FFFFFFF  }
tec
execute0_lowered:
.L_overlay_start_1:
0x0: {  	(tag) =	ssettag $0x1  }
0x1: {  	s5 =	rddreg [dreg:$0x0]  }
0x2: {  	s0 =	stileid.u32;
	s2 =	rddreg [dreg:$0x1]  }
0x3: {  	s1 =	srdreg.scid;
	s3 =	rddreg [dreg:$0x2]  }
0x4: {  	s4 =	simm.s32 $0x0;
	s13 =	simm.s32 $0x1;
	s15 =	simm.s32 $0xA000  }
0x5: {  	s16 =	simm.s32 $0xA400;
	s17 =	simm.s32 $0x400;
	s6 =	smul.u32 $0xA000, s0  }
0x6: {  	s18 =	simm.s32 $0xA800;
	s7 =	sand.u32 $0x1, s1;
	s9 =	smul.u32 $0x2800, s0  }
0x7: {  	s19 =	simm.s32 $0x0;
	s1 =	rddreg [dreg:$0x3];
	s8 =	smul.u32 $0x28000, s7  }
0x8: {  	[smem:$0x7FF] =	sst s4;
	s31 =	sshll.u32 s0, $0x6;
	s11 =	smul.u32 $0xA0000, s7  }
0x9: {  	_ =	strace $0x8000004A;
	s7 =	ssub.s32 $0x2, s7;
	s10 =	sshrl.u32 s6, $0x4  }
0xa: {  	s29 =	sshrl.u32 s7, $0x1;
	s30 =	sshrl.u32 s6, $0x1;
	s10 =	sadd.s32 s10, s5  }
0xb: {  	s8 =	sadd.s32 s9, s8;
	s25 =	sadd.s32 s6, s11;
	s9 =	ssub.s32 s7, s29  }
0xc: {  	s12 =	sadd.s32 s30, s2;
	s6 =	sor.u32 $0x1C01, s31;
	s14 =	sadd.s32 s30, s3  }
0xd: {  	s8 =	sshrl.u32 s8, $0x3;
	s28 =	sshrl.u32 s25, $0x4;
	s7 =	sadd.s32 $0x1DE00, s10  }
0xe: {  	s9 =	smax.u32 s9, $0x1;
	s12 =	sshrl.u32 s12, $0x3;
	s14 =	sshrl.u32 s14, $0x3  }
0xf: {  	s26 =	sadd.s32 s8, s5;
	s8 =	sadd.s32 s28, s5;
	s5 =	sadd.s32 $0xE600, s10  }
0x10: {  	s8 =	sadd.s32 $0x81E00, s8;
	s10 =	sadd.s32 $0x4600, s26;
	s11 =	sadd.s32 $0x27E00, s26  }
.LBB2_1:
0x11: {  	[spmem:s12], [sflag:s6] =	dma.local [hbm:s5], $0xA00  }
0x12: {  	_ =	swait.ge [sflag:s13], $0xA00  }
0x13: {  	[sflag:s13] =	ssyncset.done $0x0  }
0x14: {  	[sflag:s13] =	ssyncadd.s32 $0xFFFFF600  }
0x15: {  	[spmem:s14], [sflag:s6] =	dma.local [hbm:s7], $0xA00  }
0x16: {  	_ =	swait.ge [sflag:s13], $0xA00  }
0x17: {  	[sflag:s13] =	ssyncset.done $0x0  }
0x18: {  	[sflag:s13] =	ssyncadd.s32 $0xFFFFF600  }
0x19: {  	s20 =	sadd.s32 $0x0, s11;
	[bflag:$0x0] =	sbarrier.arrive $0xFFFF  }
0x1a: {  	[tilespmem:s15], [sflag:$0x1] =	stream.linear.gather [hbm4b:s20+s4], $0x400, $0x38;
	[tilespmem:$0x12800] =	vst v63  }
0x1b: {  	_ =	swait.ge [sflag:s13], $0x400  }
0x1c: {  	[sflag:s13] =	ssyncset.done $0x0  }
0x1d: {  	s31 =	sadd.s32 $0x0, s10;
	[sflag:s13] =	ssyncadd.s32 $0xFFFFFC00  }
0x1e: {  	[tilespmem:s16], [sflag:$0x1] =	stream.linear.gather [hbm4b:s31+s4], $0x400, $0x38;
	[tilespmem:$0x12800] =	vst v63  }
0x1f: {  	_ =	swait.ge [sflag:s13], $0x400  }
0x20: {  	[sflag:s13] =	ssyncset.done $0x0  }
0x21: {  	[sflag:s13] =	ssyncadd.s32 $0xFFFFFC00  }
0x22: {  	[tilespmem:s18], [sflag:$0x1] =	stream.indirect.gather [spmem:s2], $0x20, s15, s17, $0xb8;
	[tilespmem:$0x12800] =	vst v63  }
0x23: {  	_ =	swait.ge [sflag:s13], $0x8000  }
0x24: {  	[sflag:s13] =	ssyncset.done $0x0  }
0x25: {  	[sflag:s13] =	ssyncadd.s32 $0xFFFF8000  }
0x26: {  	[spmem:s3] =	stream.indirect.scatter.add.bf16 [tilespmem:s18], [sflag:$0x1], $0x20, s16, s17, $0xb8;
	[tilespmem:$0x12800] =	vst v63  }
0x27: {  	_ =	swait.ge [sflag:s13], $0x8000  }
0x28: {  	s21 =	simm.s32 $0x100;
	s20 =	simm.s32 $0x80;
	[sflag:s13] =	ssyncset.done $0x0  }
.LBB2_2:
0x29: {  	s22 =	sadd.s32 s20, s11  }
0x2a: {  	[sflag:s13] =	ssyncadd.s32 $0xFFFF8000;
	s23 =	smov.u32 s21;
	s24 =	sadd.s32 $0x80, s21  }
0x2b: {  	[tilespmem:s15], [sflag:$0x1] =	stream.linear.gather [hbm4b:s22+s4], $0x400, $0x38;
	[tilespmem:$0x12800] =	vst v63  }
0x2c: {  	p0 =	sne.s32 s21, $0x480;
	_ =	swait.ge [sflag:s13], $0x400  }
0x2d: {  	[sflag:s13] =	ssyncset.done $0x0  }
0x2e: {  	s21 =	sadd.s32 s20, s10;
	s20 =	smov.u32 s23;
	[sflag:s13] =	ssyncadd.s32 $0xFFFFFC00  }
0x2f: {  	[tilespmem:s16], [sflag:$0x1] =	stream.linear.gather [hbm4b:s21+s4], $0x400, $0x38;
	[tilespmem:$0x12800] =	vst v63  }
0x30: {  	_ =	swait.ge [sflag:s13], $0x400  }
0x31: {  	[sflag:s13] =	ssyncset.done $0x0  }
0x32: {  	[sflag:s13] =	ssyncadd.s32 $0xFFFFFC00  }
0x33: {  	[tilespmem:s18], [sflag:$0x1] =	stream.indirect.gather [spmem:s2], $0x20, s15, s17, $0xb8;
	[tilespmem:$0x12800] =	vst v63  }
0x34: {  	_ =	swait.ge [sflag:s13], $0x8000  }
.Ltmp0:
0x35: {  	[sflag:s13] =	ssyncset.done $0x0;
	(pc) =	sbr.rel @p0 .LBB2_2-.Ltmp0, $4  }
0x36: {  	[sflag:s13] =	ssyncadd.s32 $0xFFFF8000  }
0x37: {  	[spmem:s3] =	stream.indirect.scatter.add.bf16 [tilespmem:s18], [sflag:$0x1], $0x20, s16, s17, $0xb8;
	[tilespmem:$0x12800] =	vst v63  }
0x38: {  	_ =	swait.ge [sflag:s13], $0x8000  }
0x39: {  	s21 =	smov.u32 s24;
	[sflag:s13] =	ssyncset.done $0x0  }
0x3a: {  	s21 =	sadd.s32 s20, s11;
	[sflag:s13] =	ssyncadd.s32 $0xFFFF8000  }
0x3b: {  	[tilespmem:s15], [sflag:$0x1] =	stream.linear.gather [hbm4b:s21+s4], $0x400, $0x38;
	[tilespmem:$0x12800] =	vst v63  }
0x3c: {  	_ =	swait.ge [sflag:s13], $0x400  }
0x3d: {  	[sflag:s13] =	ssyncset.done $0x0  }
0x3e: {  	s31 =	sadd.s32 s20, s10;
	[sflag:s13] =	ssyncadd.s32 $0xFFFFFC00  }
0x3f: {  	[tilespmem:s16], [sflag:$0x1] =	stream.linear.gather [hbm4b:s31+s4], $0x400, $0x38;
	[tilespmem:$0x12800] =	vst v63  }
0x40: {  	_ =	swait.ge [sflag:s13], $0x400  }
0x41: {  	[sflag:s13] =	ssyncset.done $0x0  }
0x42: {  	[sflag:s13] =	ssyncadd.s32 $0xFFFFFC00  }
0x43: {  	[tilespmem:s18], [sflag:$0x1] =	stream.indirect.gather [spmem:s2], $0x20, s15, s17, $0xb8;
	[tilespmem:$0x12800] =	vst v63  }
0x44: {  	_ =	swait.ge [sflag:s13], $0x8000  }
0x45: {  	[sflag:s13] =	ssyncset.done $0x0  }
0x46: {  	[sflag:s13] =	ssyncadd.s32 $0xFFFF8000  }
0x47: {  	[spmem:s3] =	stream.indirect.scatter.add.bf16 [tilespmem:s18], [sflag:$0x1], $0x20, s16, s17, $0xb8;
	[tilespmem:$0x12800] =	vst v63  }
0x48: {  	_ =	swait.ge [sflag:s13], $0x8000  }
0x49: {  	s19 =	sadd.s32 $0x1, s19;
	[sflag:s13] =	ssyncset.done $0x0  }
0x4a: {  	p0 =	sne.s32 s19, s9;
	[sflag:s13] =	ssyncadd.s32 $0xFFFF8000  }
.Ltmp1:
0x4b: {  	[bflag:$0x0] =	sbarrier.arrive $0xFFFF;
	(pc) =	sbr.rel @p0 .LBB2_1-.Ltmp1, $4  }
0x4c: {  	[hbm:s8], [sflag:s6] =	dma.local [spmem:s14], $0xA00  }
0x4d: {  	_ =	swait.ge [sflag:s13], $0xA00  }
0x4e: {  	[sflag:s13] =	ssyncset.done $0x0  }
0x4f: {  	[sflag:s13] =	ssyncadd.s32 $0xFFFFF600  }
0x50: {  	_ =	sfence.sel $0x180000  }
0x51: {  	[bflag:$0x0] =	sbarrier.arrive $0xFFFF  }
0x52: {  	p0 =	sne.s32 s0, $0x0;
	_ =	strace $0x9000004A  }
0x53: {  	s0 =	sadd.s32 @!p0 $0x100000, s1;
	[bflag:$0x2] =	sbarrier.arrive $0xFFFF  }
0x54: {  	[sflag:s0] =	ssyncadd.tile.s32 @!p0 $0x1;
	_ =	shalt  }
.Lfunc_end2:
_tile_overlayer_lowered:
.L_overlay_start_2:
0x55: {  	(tag) =	ssettag $0x2  }
0x56: {  	s0 =	rddreg [dreg:$0x0];
	s2 =	stileid.u32  }
0x57: {  	s1 =	rddreg [dreg:$0x1];
	p0 =	sne.s32 s2, $0x0  }
0x58: {  	s3 =	rddreg [dreg:$0x2];
	[bflag:$0x3] =	sbarrier.arrive $0xFFFF;
	s2 =	simm.s32 @!p0 $0x1C01  }
0x59: {  	[timem:s3], [sflag:s2] =	dma.local @!p0 [hbm:s0], s1  }
0x5a: {  	s0 =	simm.s32 @!p0 $0x1  }
0x5b: {  	_ =	swait.ge @!p0 [sflag:s0], s1  }
0x5c: {  	s1 =	ssub.s32 @!p0 $0x0, s1;
	[sflag:s0] =	ssyncset.done @!p0 $0x0  }
0x5d: {  	[sflag:s0] =	ssyncadd.s32 @!p0 s1  }
0x5e: {  	[bflag:$0x3] =	sbarrier.arrive $0xFFFF  }
0x5f: {  	_ =	shalt  }

// kernel: kernel.17.cloned.1.call-start
scs
__scs_entry_jumppad:
0x0: {  	(pc) =	sbr.rel $0x88, $3  }
0x1: {  	(tag) =	ssettag $0x0;
	lr =	simm.s32 $0x1  }
0x2: {  	[smem:$0x3F8F] =	sst lr;
	_ =	strace $0xD0000000  }
0x3: {  	_ = 	snop  }
0x4: {  	_ = 	snop  }
0x5: {  	_ = 	snop  }
0x6: {  	_ = 	snop  }
0x7: {  	_ = 	snop  }
__scs_overlays_trampoline_lowered:
0x8: {  	[smem:$0x3F9E] =	sst s0  }
0x9: {  	[smem:$0x3F9F] =	sst s1  }
0xa: {  	[smem:$0x3FA0] =	sst s2  }
0xb: {  	[smem:$0x3FA1] =	sst s3  }
0xc: {  	[smem:$0x3FA2] =	sst s4  }
0xd: {  	[smem:$0x3FA3] =	sst s5  }
0xe: {  	[smem:$0x3FA4] =	sst s6  }
0xf: {  	[smem:$0x3FA5] =	sst s7  }
0x10: {  	[smem:$0x3FA6] =	sst s8  }
0x11: {  	[smem:$0x3FA7] =	sst s9;
	s0 =	simm.s32 @!p0 $0x0  }
0x12: {  	s1 =	sld [smem:$0x3F8D];
	s0 =	simm.s32 @p0 $0x1  }
0x13: {  	[smem:$0x3FA8] =	sst s0;
	s0 =	simm.s32 @!p1 $0x0  }
0x14: {  	s2 =	sld [smem:$0x3F8C];
	s0 =	simm.s32 @p1 $0x1  }
0x15: {  	[smem:$0x3FA9] =	sst s0;
	s0 =	simm.s32 @!p2 $0x0  }
0x16: {  	s3 =	sld [smem:$0x3FDB];
	s0 =	simm.s32 @p2 $0x1  }
0x17: {  	s4 =	simm.s32 $0x1BF5;
	[smem:$0x3FAB] =	sst s0  }
0x18: {  	s0 =	sld [smem:$0x3F8E];
	_ =	swait.ge [sflag:s4], $0x0  }
0x19: {  	s7 =	sld [smem:$0x3F8F]  }
0x1a: {  	s8 =	sadd.s32 $0xFFFFE003, lr  }
0x1b: {  	s9 =	sadd.s32 $0xFFFFFEF7, lr;
	s5 =	simm.s32 $0xFFFFFFFF;
	p2 =	slt.u32 s8, $0xFFFFF086  }
0x1c: {  	p1 =	slt.u32 s9, $0xF7A;
	s5 =	simm.s32 @!p2 $0x0  }
0x1d: {  	s5 =	simm.s32 @p1 $0x1;
	p0 =	seq.s32 s7, s2  }
0x1e: {  	s7 =	smul.u32 @!p0 $0xF7A, s2;
	p2 =	seq.s32 @!p0 s5, $0x0  }
0x1f: {  	s9 =	smul.u32 $0xF7A, s1;
	s8 =	simm.s32 @!p0 $0x1BF5;
	p2 =	por !p2, p0  }
0x20: {  	[sflag:s8] =	ssyncset.s32 @!p0 $0xFFFFF086;
	s6 =	sadd.s32 @!p0 s3, s7;
	s7 =	simm.s32 @!p0 $0x108  }
0x21: {  	s3 =	sadd.s32 s3, s9;
	s6 =	sadd.s32 @!p0 $0x88, s6;
	s7 =	simm.s32 @p2 $0x1082  }
0x22: {  	[simem:s7], [sflag:s8] =	dma.local @!p0 [hbm:s6], $0xF7A  }
0x23: {  	s9 =	sor.u32 $0xD0000000, s2;
	s6 =	simm.s32 $0x108;
	_ =	swait.ge @!p0 [sflag:s8], $0x0  }
0x24: {  	s3 =	sadd.s32 $0x88, s3;
	s6 =	simm.s32 @!p1 $0x1082;
	[sflag:s4] =	ssyncset.s32 $0xFFFFF086  }
0x25: {  	[simem:s6], [sflag:s4] =	dma.local [hbm:s3], $0xF7A  }
0x26: {  	[smem:$0x3F8F] =	sst s1;
	(tag) =	ssettag s2;
	_ =	strace s9  }
0x27: {  	s1 =	sld [smem:$0x3F9F]  }
0x28: {  	s2 =	sld [smem:$0x3FA0]  }
0x29: {  	s4 =	sld [smem:$0x3FA2]  }
0x2a: {  	p0 =	seq.s32 s5, $0x0;
	s5 =	sld [smem:$0x3FA3]  }
0x2b: {  	s6 =	sld [smem:$0x3FA4]  }
0x2c: {  	s7 =	sld [smem:$0x3FA5]  }
0x2d: {  	s3 =	simm.s32 $0x108;
	s8 =	sld [smem:$0x3FA6]  }
0x2e: {  	s3 =	simm.s32 @!p0 $0x1082;
	s9 =	sld [smem:$0x3FA7]  }
0x2f: {  	lr =	sadd.s32 s0, s3;
	s0 =	sld [smem:$0x3F9E]  }
0x30: {  	s3 =	sld [smem:$0x3FA1]  }
0x31: {  	[smem:$0x3FAA] =	sst s10  }
0x32: {  	s10 =	sld [smem:$0x3FA8];
	_ =	sdelay $0x3  }
0x33: {  	p0 =	seq.s32 s10, $0x1;
	s10 =	sld [smem:$0x3FAA];
	_ =	sdelay $0x3  }
0x34: {  	[smem:$0x3FAA] =	sst s10  }
0x35: {  	s10 =	sld [smem:$0x3FA9];
	_ =	sdelay $0x3  }
0x36: {  	p1 =	seq.s32 s10, $0x1;
	s10 =	sld [smem:$0x3FAA];
	_ =	sdelay $0x3  }
0x37: {  	[smem:$0x3FAA] =	sst s10  }
0x38: {  	s10 =	sld [smem:$0x3FAB]  }
0x39: {  	_ = 	snop;
	(pc) =	sbr.ind lr, $3  }
0x3a: {  	_ = 	snop  }
0x3b: {  	_ = 	snop  }
0x3c: {  	p2 =	seq.s32 s10, $0x1;
	s10 =	sld [smem:$0x3FAA]  }
0x3d: {  	_ =	shalt  }
0x3e: {  	_ =	shalt  }
0x3f: {  	_ =	shalt  }
0x40: {  	_ =	shalt  }
0x41: {  	_ =	shalt  }
0x42: {  	_ =	shalt  }
0x43: {  	_ =	shalt  }
0x44: {  	_ =	shalt  }
0x45: {  	_ =	shalt  }
0x46: {  	_ =	shalt  }
0x47: {  	_ =	shalt  }
0x48: {  	_ =	shalt  }
0x49: {  	_ =	shalt  }
0x4a: {  	_ =	shalt  }
0x4b: {  	_ =	shalt  }
0x4c: {  	_ =	shalt  }
0x4d: {  	_ =	shalt  }
0x4e: {  	_ =	shalt  }
0x4f: {  	_ =	shalt  }
0x50: {  	_ =	shalt  }
0x51: {  	_ =	shalt  }
0x52: {  	_ =	shalt  }
0x53: {  	_ =	shalt  }
0x54: {  	_ =	shalt  }
0x55: {  	_ =	shalt  }
0x56: {  	_ =	shalt  }
0x57: {  	_ =	shalt  }
0x58: {  	_ =	shalt  }
0x59: {  	_ =	shalt  }
0x5a: {  	_ =	shalt  }
0x5b: {  	_ =	shalt  }
0x5c: {  	_ =	shalt  }
0x5d: {  	_ =	shalt  }
0x5e: {  	_ =	shalt  }
0x5f: {  	_ =	shalt  }
0x60: {  	_ =	shalt  }
0x61: {  	_ =	shalt  }
0x62: {  	_ =	shalt  }
0x63: {  	_ =	shalt  }
0x64: {  	_ =	shalt  }
0x65: {  	_ =	shalt  }
0x66: {  	_ =	shalt  }
0x67: {  	_ =	shalt  }
0x68: {  	_ =	shalt  }
0x69: {  	_ =	shalt  }
0x6a: {  	_ =	shalt  }
0x6b: {  	_ =	shalt  }
0x6c: {  	_ =	shalt  }
0x6d: {  	_ =	shalt  }
0x6e: {  	_ =	shalt  }
0x6f: {  	_ =	shalt  }
0x70: {  	_ =	shalt  }
0x71: {  	_ =	shalt  }
0x72: {  	_ =	shalt  }
0x73: {  	_ =	shalt  }
0x74: {  	_ =	shalt  }
0x75: {  	_ =	shalt  }
0x76: {  	_ =	shalt  }
0x77: {  	_ =	shalt  }
0x78: {  	_ =	shalt  }
0x79: {  	_ =	shalt  }
0x7a: {  	_ =	shalt  }
0x7b: {  	_ =	shalt  }
0x7c: {  	_ =	shalt  }
0x7d: {  	_ =	shalt  }
0x7e: {  	_ =	shalt  }
0x7f: {  	_ =	shalt  }
0x80: {  	_ =	shalt  }
0x81: {  	_ =	shalt  }
0x82: {  	_ =	shalt  }
0x83: {  	_ =	shalt  }
0x84: {  	_ =	shalt  }
0x85: {  	_ =	shalt  }
0x86: {  	_ =	shalt  }
0x87: {  	_ =	shalt  }
.Lfunc_end0:
.L_simem_size_0:
called_computation.2_lowered:
.L_overlay_start_0:
0x88: {  	s2 =	sld [smem:$0x3FD9]  }
0x89: {  	s3 =	sld [smem:$0x3FFE];
	_ =	sdelay $0x1  }
0x8a: {  	s1 =	srdreg.scid  }
0x8b: {  	s0 =	sand.u32 $0x1, s1  }
0x8c: {  	s16 =	sshll.u32 s0, $0xA;
	s2 =	sadd.s32 s3, s2  }
0x8d: {  	s2 =	sadd.s32 s2, s16  }
0x8e: {  	[smem:$0x3FB6] =	sst s2  }
0x8f: {  	_ = 	snop  }
0x90: {  	(tm) =	ssettm $0x1  }
0x91: {  	s17 =	sld [smem:$0x3FFB];
	_ =	sdelay $0x3  }
0x92: {  	_ =	strace s17  }
0x93: {  	s2 =	sld [smem:$0x3FFC];
	_ =	sdelay $0x3  }
0x94: {  	_ =	strace s2  }
0x95: {  	s2 =	sld [smem:$0x3FFD];
	_ =	sdelay $0x3  }
0x96: {  	_ =	strace s2  }
0x97: {  	_ =	strace $0x8FFFFFFF  }
0x98: {  	s18 =	sld [smem:$0x3FDB];
	_ =	sdelay $0x1  }
0x99: {  	s19 =	simm.s32 $_scs_section_size  }
0x9a: {  	s4 =	simm.s32 $_size__tile_overlayer_lowered;
	s5 =	simm.s32 $_tile_overlayer_lowered  }
0x9b: {  	s22 =	simm.s32 $0x1BFF;
	s21 =	sshll.u32 s5, $0x1;
	s2 =	sadd.s32 s19, s18  }
0x9c: {  	s6 =	simm.s32 $0x0;
	s20 =	sshll.u32 s4, $0x1;
	s4 =	sadd.s32 s21, s2  }
0x9d: {  	[timem:s6], [sflag:s22] =	dma.local [hbm:s4], s20  }
0x9e: {  	_ =	swait.ge [sflag:s22], s20  }
0x9f: {  	s3 =	ssub.s32 $0x0, s20;
	[sflag:s22] =	ssyncset.done $0x0  }
0xa0: {  	[sflag:s22] =	ssyncadd.s32 s3;
	_ =	sdelay $0x1  }
0xa1: {  	s23 =	simm.s32 $0x1B8B  }
0xa2: {  	_ =	swait.ge [sflag:s23], $0x1  }
0xa3: {  	[sflag:s23] =	ssyncset.done $0x0  }
0xa4: {  	s25 =	simm.s32 $0x1B8E;
	s24 =	sld [smem:$0x3FFE];
	[sflag:s23] =	ssyncadd.s32 $0xFFFFFFFF  }
0xa5: {  	s26 =	simm.s32 $execute0_lowered;
	[smem:$0x3FD2] =	sst s25  }
0xa6: {  	s4 =	sshll.u32 s26, $0x1;
	_ =	strace $0x8000004C;
	[dreg:$0x1] =	wrdreg $0xFFFFFFFF  }
0xa7: {  	s28 =	simm.s32 $_size_execute0_lowered;
	s2 =	sadd.s32 s2, s4;
	[dreg:$0x0] =	wrdreg $0x0  }
0xa8: {  	s4 =	sshll.u32 s28, $0x1;
	[dreg:$0x2] =	wrdreg s2  }
0xa9: {  	[dreg:$0x3] =	wrdreg s4  }
0xaa: {  	[dreg:$0x4] =	wrdreg $0xC0  }
0xab: {  	_ =	task [dreg:s6], $0x5FFFF  }
0xac: {  	[dreg:$0x1] =	wrdreg $0xFFFFFFFF  }
0xad: {  	[dreg:$0x0] =	wrdreg $0x60  }
0xae: {  	[dreg:$0x2] =	wrdreg s24  }
0xaf: {  	[dreg:$0x3] =	wrdreg $0x0  }
0xb0: {  	[dreg:$0x4] =	wrdreg $0x50000  }
0xb1: {  	[dreg:$0x5] =	wrdreg $0x9  }
0xb2: {  	_ =	task.clear_ibuf [dreg:s6], $0x6FFFF;
	_ =	strace $0x9000004C  }
0xb3: {  	s29 =	simm.s32 $0x9;
	_ =	strace $0x8000004E  }
0xb4: {  	_ =	swait.ge [sflag:s29], $0x1  }
0xb5: {  	[sflag:s29] =	ssyncadd.s32 $0xFFFFFFFF  }
0xb6: {  	_ =	strace $0x9000004E  }
0xb7: {  	_ =	sfence  }
0xb8: {  	s30 =	sld [smem:$0x0];
	_ =	sdelay $0x2  }
0xb9: {  	s31 =	sshll.u32 s1, $0xD;
	s1 =	sshrl.u32 s1, $0x2  }
0xba: {  	s3 =	sand.u32 $0x4000, s31;
	s1 =	sadd.s32 s1, s30  }
0xbb: {  	s0 =	sor.u32 s3, s0;
	s1 =	sshll.u32 s1, $0x11  }
0xbc: {  	s0 =	sor.u32 s1, s0  }
0xbd: {  	s0 =	sadd.s32 $0x8F2B, s0  }
0xbe: {  	[sflag:s0] =	ssyncadd.remote.s32 $0x1  }
0xbf: {  	_ =	sfence.sel $0xFFFF  }
0xc0: {  	[dreg:$0x0] =	wrdreg $0xFFFFFFFF;
	(pc) =	sbr.abs _section_cstart, $3  }
0xc1: {  	[dreg:$0x1] =	wrdreg $0xFFFFFFFF  }
0xc2: {  	_ =	task.clear_ibuf [dreg:s6], $0x2FFFF;
	_ =	strace $0x9FFFFFFF  }
0xc3: {  	(tm) =	ssettm $0x7FFFFFFF  }
tec
execute0_lowered:
.L_overlay_start_1:
0x0: {  	(tag) =	ssettag $0x1  }
0x1: {  	s5 =	rddreg [dreg:$0x0]  }
0x2: {  	s0 =	stileid.u32;
	s2 =	rddreg [dreg:$0x1]  }
0x3: {  	s1 =	srdreg.scid;
	s3 =	rddreg [dreg:$0x2]  }
0x4: {  	s4 =	simm.s32 $0x0;
	s13 =	simm.s32 $0x1;
	s15 =	simm.s32 $0xA000  }
0x5: {  	s16 =	simm.s32 $0xA400;
	s17 =	simm.s32 $0x400;
	s6 =	smul.u32 $0xA000, s0  }
0x6: {  	s18 =	simm.s32 $0xA800;
	s7 =	sand.u32 $0x1, s1;
	s9 =	smul.u32 $0x2800, s0  }
0x7: {  	s19 =	simm.s32 $0x0;
	s1 =	rddreg [dreg:$0x3];
	s8 =	smul.u32 $0x28000, s7  }
0x8: {  	[smem:$0x7FF] =	sst s4;
	s31 =	sshll.u32 s0, $0x6;
	s11 =	smul.u32 $0xA0000, s7  }
0x9: {  	_ =	strace $0x8000004D;
	s7 =	ssub.s32 $0x2, s7;
	s10 =	sshrl.u32 s6, $0x4  }
0xa: {  	s29 =	sshrl.u32 s7, $0x1;
	s30 =	sshrl.u32 s6, $0x1;
	s10 =	sadd.s32 s10, s5  }
0xb: {  	s8 =	sadd.s32 s9, s8;
	s25 =	sadd.s32 s6, s11;
	s9 =	ssub.s32 s7, s29  }
0xc: {  	s12 =	sadd.s32 s30, s2;
	s6 =	sor.u32 $0x1C01, s31;
	s14 =	sadd.s32 s30, s3  }
0xd: {  	s8 =	sshrl.u32 s8, $0x3;
	s28 =	sshrl.u32 s25, $0x4;
	s7 =	sadd.s32 $0x1DE00, s10  }
0xe: {  	s9 =	smax.u32 s9, $0x1;
	s12 =	sshrl.u32 s12, $0x3;
	s14 =	sshrl.u32 s14, $0x3  }
0xf: {  	s26 =	sadd.s32 s8, s5;
	s8 =	sadd.s32 s28, s5;
	s5 =	sadd.s32 $0xE600, s10  }
0x10: {  	s8 =	sadd.s32 $0xA9E00, s8;
	s10 =	sadd.s32 $0x4600, s26;
	s11 =	sadd.s32 $0x27E00, s26  }
.LBB2_1:
0x11: {  	[spmem:s12], [sflag:s6] =	dma.local [hbm:s5], $0xA00  }
0x12: {  	_ =	swait.ge [sflag:s13], $0xA00  }
0x13: {  	[sflag:s13] =	ssyncset.done $0x0  }
0x14: {  	[sflag:s13] =	ssyncadd.s32 $0xFFFFF600  }
0x15: {  	[spmem:s14], [sflag:s6] =	dma.local [hbm:s7], $0xA00  }
0x16: {  	_ =	swait.ge [sflag:s13], $0xA00  }
0x17: {  	[sflag:s13] =	ssyncset.done $0x0  }
0x18: {  	[sflag:s13] =	ssyncadd.s32 $0xFFFFF600  }
0x19: {  	s20 =	sadd.s32 $0x0, s11;
	[bflag:$0x0] =	sbarrier.arrive $0xFFFF  }
0x1a: {  	[tilespmem:s15], [sflag:$0x1] =	stream.linear.gather [hbm4b:s20+s4], $0x400, $0x38;
	[tilespmem:$0x12800] =	vst v63  }
0x1b: {  	_ =	swait.ge [sflag:s13], $0x400  }
0x1c: {  	[sflag:s13] =	ssyncset.done $0x0  }
0x1d: {  	s31 =	sadd.s32 $0x0, s10;
	[sflag:s13] =	ssyncadd.s32 $0xFFFFFC00  }
0x1e: {  	[tilespmem:s16], [sflag:$0x1] =	stream.linear.gather [hbm4b:s31+s4], $0x400, $0x38;
	[tilespmem:$0x12800] =	vst v63  }
0x1f: {  	_ =	swait.ge [sflag:s13], $0x400  }
0x20: {  	[sflag:s13] =	ssyncset.done $0x0  }
0x21: {  	[sflag:s13] =	ssyncadd.s32 $0xFFFFFC00  }
0x22: {  	[tilespmem:s18], [sflag:$0x1] =	stream.indirect.gather [spmem:s2], $0x20, s15, s17, $0xb8;
	[tilespmem:$0x12800] =	vst v63  }
0x23: {  	_ =	swait.ge [sflag:s13], $0x8000  }
0x24: {  	[sflag:s13] =	ssyncset.done $0x0  }
0x25: {  	[sflag:s13] =	ssyncadd.s32 $0xFFFF8000  }
0x26: {  	[spmem:s3] =	stream.indirect.scatter.add.bf16 [tilespmem:s18], [sflag:$0x1], $0x20, s16, s17, $0xb8;
	[tilespmem:$0x12800] =	vst v63  }
0x27: {  	_ =	swait.ge [sflag:s13], $0x8000  }
0x28: {  	s21 =	simm.s32 $0x100;
	s20 =	simm.s32 $0x80;
	[sflag:s13] =	ssyncset.done $0x0  }
.LBB2_2:
0x29: {  	s22 =	sadd.s32 s20, s11  }
0x2a: {  	[sflag:s13] =	ssyncadd.s32 $0xFFFF8000;
	s23 =	smov.u32 s21;
	s24 =	sadd.s32 $0x80, s21  }
0x2b: {  	[tilespmem:s15], [sflag:$0x1] =	stream.linear.gather [hbm4b:s22+s4], $0x400, $0x38;
	[tilespmem:$0x12800] =	vst v63  }
0x2c: {  	p0 =	sne.s32 s21, $0x480;
	_ =	swait.ge [sflag:s13], $0x400  }
0x2d: {  	[sflag:s13] =	ssyncset.done $0x0  }
0x2e: {  	s21 =	sadd.s32 s20, s10;
	s20 =	smov.u32 s23;
	[sflag:s13] =	ssyncadd.s32 $0xFFFFFC00  }
0x2f: {  	[tilespmem:s16], [sflag:$0x1] =	stream.linear.gather [hbm4b:s21+s4], $0x400, $0x38;
	[tilespmem:$0x12800] =	vst v63  }
0x30: {  	_ =	swait.ge [sflag:s13], $0x400  }
0x31: {  	[sflag:s13] =	ssyncset.done $0x0  }
0x32: {  	[sflag:s13] =	ssyncadd.s32 $0xFFFFFC00  }
0x33: {  	[tilespmem:s18], [sflag:$0x1] =	stream.indirect.gather [spmem:s2], $0x20, s15, s17, $0xb8;
	[tilespmem:$0x12800] =	vst v63  }
0x34: {  	_ =	swait.ge [sflag:s13], $0x8000  }
.Ltmp0:
0x35: {  	[sflag:s13] =	ssyncset.done $0x0;
	(pc) =	sbr.rel @p0 .LBB2_2-.Ltmp0, $4  }
0x36: {  	[sflag:s13] =	ssyncadd.s32 $0xFFFF8000  }
0x37: {  	[spmem:s3] =	stream.indirect.scatter.add.bf16 [tilespmem:s18], [sflag:$0x1], $0x20, s16, s17, $0xb8;
	[tilespmem:$0x12800] =	vst v63  }
0x38: {  	_ =	swait.ge [sflag:s13], $0x8000  }
0x39: {  	s21 =	smov.u32 s24;
	[sflag:s13] =	ssyncset.done $0x0  }
0x3a: {  	s21 =	sadd.s32 s20, s11;
	[sflag:s13] =	ssyncadd.s32 $0xFFFF8000  }
0x3b: {  	[tilespmem:s15], [sflag:$0x1] =	stream.linear.gather [hbm4b:s21+s4], $0x400, $0x38;
	[tilespmem:$0x12800] =	vst v63  }
0x3c: {  	_ =	swait.ge [sflag:s13], $0x400  }
0x3d: {  	[sflag:s13] =	ssyncset.done $0x0  }
0x3e: {  	s31 =	sadd.s32 s20, s10;
	[sflag:s13] =	ssyncadd.s32 $0xFFFFFC00  }
0x3f: {  	[tilespmem:s16], [sflag:$0x1] =	stream.linear.gather [hbm4b:s31+s4], $0x400, $0x38;
	[tilespmem:$0x12800] =	vst v63  }
0x40: {  	_ =	swait.ge [sflag:s13], $0x400  }
0x41: {  	[sflag:s13] =	ssyncset.done $0x0  }
0x42: {  	[sflag:s13] =	ssyncadd.s32 $0xFFFFFC00  }
0x43: {  	[tilespmem:s18], [sflag:$0x1] =	stream.indirect.gather [spmem:s2], $0x20, s15, s17, $0xb8;
	[tilespmem:$0x12800] =	vst v63  }
0x44: {  	_ =	swait.ge [sflag:s13], $0x8000  }
0x45: {  	[sflag:s13] =	ssyncset.done $0x0  }
0x46: {  	[sflag:s13] =	ssyncadd.s32 $0xFFFF8000  }
0x47: {  	[spmem:s3] =	stream.indirect.scatter.add.bf16 [tilespmem:s18], [sflag:$0x1], $0x20, s16, s17, $0xb8;
	[tilespmem:$0x12800] =	vst v63  }
0x48: {  	_ =	swait.ge [sflag:s13], $0x8000  }
0x49: {  	s19 =	sadd.s32 $0x1, s19;
	[sflag:s13] =	ssyncset.done $0x0  }
0x4a: {  	p0 =	sne.s32 s19, s9;
	[sflag:s13] =	ssyncadd.s32 $0xFFFF8000  }
.Ltmp1:
0x4b: {  	[bflag:$0x0] =	sbarrier.arrive $0xFFFF;
	(pc) =	sbr.rel @p0 .LBB2_1-.Ltmp1, $4  }
0x4c: {  	[hbm:s8], [sflag:s6] =	dma.local [spmem:s14], $0xA00  }
0x4d: {  	_ =	swait.ge [sflag:s13], $0xA00  }
0x4e: {  	[sflag:s13] =	ssyncset.done $0x0  }
0x4f: {  	[sflag:s13] =	ssyncadd.s32 $0xFFFFF600  }
0x50: {  	_ =	sfence.sel $0x180000  }
0x51: {  	[bflag:$0x0] =	sbarrier.arrive $0xFFFF  }
0x52: {  	p0 =	sne.s32 s0, $0x0;
	_ =	strace $0x9000004D  }
0x53: {  	s0 =	sadd.s32 @!p0 $0x100000, s1;
	[bflag:$0x2] =	sbarrier.arrive $0xFFFF  }
0x54: {  	[sflag:s0] =	ssyncadd.tile.s32 @!p0 $0x1;
	_ =	shalt  }
.Lfunc_end2:
_tile_overlayer_lowered:
.L_overlay_start_2:
0x55: {  	(tag) =	ssettag $0x2  }
0x56: {  	s0 =	rddreg [dreg:$0x0];
	s2 =	stileid.u32  }
0x57: {  	s1 =	rddreg [dreg:$0x1];
	p0 =	sne.s32 s2, $0x0  }
0x58: {  	s3 =	rddreg [dreg:$0x2];
	[bflag:$0x3] =	sbarrier.arrive $0xFFFF;
	s2 =	simm.s32 @!p0 $0x1C01  }
0x59: {  	[timem:s3], [sflag:s2] =	dma.local @!p0 [hbm:s0], s1  }
0x5a: {  	s0 =	simm.s32 @!p0 $0x1  }
0x5b: {  	_ =	swait.ge @!p0 [sflag:s0], s1  }
0x5c: {  	s1 =	ssub.s32 @!p0 $0x0, s1;
	[sflag:s0] =	ssyncset.done @!p0 $0x0  }
0x5d: {  	[sflag:s0] =	ssyncadd.s32 @!p0 s1  }
0x5e: {  	[bflag:$0x3] =	sbarrier.arrive $0xFFFF  }
0x5f: {  	_ =	shalt  }

// kernel: kernel.20.cloned.1.call-start
scs
__scs_entry_jumppad:
0x0: {  	(pc) =	sbr.rel $0x88, $3  }
0x1: {  	(tag) =	ssettag $0x0;
	lr =	simm.s32 $0x1  }
0x2: {  	[smem:$0x3F8F] =	sst lr;
	_ =	strace $0xD0000000  }
0x3: {  	_ = 	snop  }
0x4: {  	_ = 	snop  }
0x5: {  	_ = 	snop  }
0x6: {  	_ = 	snop  }
0x7: {  	_ = 	snop  }
__scs_overlays_trampoline_lowered:
0x8: {  	[smem:$0x3F9E] =	sst s0  }
0x9: {  	[smem:$0x3F9F] =	sst s1  }
0xa: {  	[smem:$0x3FA0] =	sst s2  }
0xb: {  	[smem:$0x3FA1] =	sst s3  }
0xc: {  	[smem:$0x3FA2] =	sst s4  }
0xd: {  	[smem:$0x3FA3] =	sst s5  }
0xe: {  	[smem:$0x3FA4] =	sst s6  }
0xf: {  	[smem:$0x3FA5] =	sst s7  }
0x10: {  	[smem:$0x3FA6] =	sst s8  }
0x11: {  	[smem:$0x3FA7] =	sst s9;
	s0 =	simm.s32 @!p0 $0x0  }
0x12: {  	s1 =	sld [smem:$0x3F8D];
	s0 =	simm.s32 @p0 $0x1  }
0x13: {  	[smem:$0x3FA8] =	sst s0;
	s0 =	simm.s32 @!p1 $0x0  }
0x14: {  	s2 =	sld [smem:$0x3F8C];
	s0 =	simm.s32 @p1 $0x1  }
0x15: {  	[smem:$0x3FA9] =	sst s0;
	s0 =	simm.s32 @!p2 $0x0  }
0x16: {  	s3 =	sld [smem:$0x3FDB];
	s0 =	simm.s32 @p2 $0x1  }
0x17: {  	s4 =	simm.s32 $0x1BF5;
	[smem:$0x3FAB] =	sst s0  }
0x18: {  	s0 =	sld [smem:$0x3F8E];
	_ =	swait.ge [sflag:s4], $0x0  }
0x19: {  	s7 =	sld [smem:$0x3F8F]  }
0x1a: {  	s8 =	sadd.s32 $0xFFFFE003, lr  }
0x1b: {  	s9 =	sadd.s32 $0xFFFFFEF7, lr;
	s5 =	simm.s32 $0xFFFFFFFF;
	p2 =	slt.u32 s8, $0xFFFFF086  }
0x1c: {  	p1 =	slt.u32 s9, $0xF7A;
	s5 =	simm.s32 @!p2 $0x0  }
0x1d: {  	s5 =	simm.s32 @p1 $0x1;
	p0 =	seq.s32 s7, s2  }
0x1e: {  	s7 =	smul.u32 @!p0 $0xF7A, s2;
	p2 =	seq.s32 @!p0 s5, $0x0  }
0x1f: {  	s9 =	smul.u32 $0xF7A, s1;
	s8 =	simm.s32 @!p0 $0x1BF5;
	p2 =	por !p2, p0  }
0x20: {  	[sflag:s8] =	ssyncset.s32 @!p0 $0xFFFFF086;
	s6 =	sadd.s32 @!p0 s3, s7;
	s7 =	simm.s32 @!p0 $0x108  }
0x21: {  	s3 =	sadd.s32 s3, s9;
	s6 =	sadd.s32 @!p0 $0x88, s6;
	s7 =	simm.s32 @p2 $0x1082  }
0x22: {  	[simem:s7], [sflag:s8] =	dma.local @!p0 [hbm:s6], $0xF7A  }
0x23: {  	s9 =	sor.u32 $0xD0000000, s2;
	s6 =	simm.s32 $0x108;
	_ =	swait.ge @!p0 [sflag:s8], $0x0  }
0x24: {  	s3 =	sadd.s32 $0x88, s3;
	s6 =	simm.s32 @!p1 $0x1082;
	[sflag:s4] =	ssyncset.s32 $0xFFFFF086  }
0x25: {  	[simem:s6], [sflag:s4] =	dma.local [hbm:s3], $0xF7A  }
0x26: {  	[smem:$0x3F8F] =	sst s1;
	(tag) =	ssettag s2;
	_ =	strace s9  }
0x27: {  	s1 =	sld [smem:$0x3F9F]  }
0x28: {  	s2 =	sld [smem:$0x3FA0]  }
0x29: {  	s4 =	sld [smem:$0x3FA2]  }
0x2a: {  	p0 =	seq.s32 s5, $0x0;
	s5 =	sld [smem:$0x3FA3]  }
0x2b: {  	s6 =	sld [smem:$0x3FA4]  }
0x2c: {  	s7 =	sld [smem:$0x3FA5]  }
0x2d: {  	s3 =	simm.s32 $0x108;
	s8 =	sld [smem:$0x3FA6]  }
0x2e: {  	s3 =	simm.s32 @!p0 $0x1082;
	s9 =	sld [smem:$0x3FA7]  }
0x2f: {  	lr =	sadd.s32 s0, s3;
	s0 =	sld [smem:$0x3F9E]  }
0x30: {  	s3 =	sld [smem:$0x3FA1]  }
0x31: {  	[smem:$0x3FAA] =	sst s10  }
0x32: {  	s10 =	sld [smem:$0x3FA8];
	_ =	sdelay $0x3  }
0x33: {  	p0 =	seq.s32 s10, $0x1;
	s10 =	sld [smem:$0x3FAA];
	_ =	sdelay $0x3  }
0x34: {  	[smem:$0x3FAA] =	sst s10  }
0x35: {  	s10 =	sld [smem:$0x3FA9];
	_ =	sdelay $0x3  }
0x36: {  	p1 =	seq.s32 s10, $0x1;
	s10 =	sld [smem:$0x3FAA];
	_ =	sdelay $0x3  }
0x37: {  	[smem:$0x3FAA] =	sst s10  }
0x38: {  	s10 =	sld [smem:$0x3FAB]  }
0x39: {  	_ = 	snop;
	(pc) =	sbr.ind lr, $3  }
0x3a: {  	_ = 	snop  }
0x3b: {  	_ = 	snop  }
0x3c: {  	p2 =	seq.s32 s10, $0x1;
	s10 =	sld [smem:$0x3FAA]  }
0x3d: {  	_ =	shalt  }
0x3e: {  	_ =	shalt  }
0x3f: {  	_ =	shalt  }
0x40: {  	_ =	shalt  }
0x41: {  	_ =	shalt  }
0x42: {  	_ =	shalt  }
0x43: {  	_ =	shalt  }
0x44: {  	_ =	shalt  }
0x45: {  	_ =	shalt  }
0x46: {  	_ =	shalt  }
0x47: {  	_ =	shalt  }
0x48: {  	_ =	shalt  }
0x49: {  	_ =	shalt  }
0x4a: {  	_ =	shalt  }
0x4b: {  	_ =	shalt  }
0x4c: {  	_ =	shalt  }
0x4d: {  	_ =	shalt  }
0x4e: {  	_ =	shalt  }
0x4f: {  	_ =	shalt  }
0x50: {  	_ =	shalt  }
0x51: {  	_ =	shalt  }
0x52: {  	_ =	shalt  }
0x53: {  	_ =	shalt  }
0x54: {  	_ =	shalt  }
0x55: {  	_ =	shalt  }
0x56: {  	_ =	shalt  }
0x57: {  	_ =	shalt  }
0x58: {  	_ =	shalt  }
0x59: {  	_ =	shalt  }
0x5a: {  	_ =	shalt  }
0x5b: {  	_ =	shalt  }
0x5c: {  	_ =	shalt  }
0x5d: {  	_ =	shalt  }
0x5e: {  	_ =	shalt  }
0x5f: {  	_ =	shalt  }
0x60: {  	_ =	shalt  }
0x61: {  	_ =	shalt  }
0x62: {  	_ =	shalt  }
0x63: {  	_ =	shalt  }
0x64: {  	_ =	shalt  }
0x65: {  	_ =	shalt  }
0x66: {  	_ =	shalt  }
0x67: {  	_ =	shalt  }
0x68: {  	_ =	shalt  }
0x69: {  	_ =	shalt  }
0x6a: {  	_ =	shalt  }
0x6b: {  	_ =	shalt  }
0x6c: {  	_ =	shalt  }
0x6d: {  	_ =	shalt  }
0x6e: {  	_ =	shalt  }
0x6f: {  	_ =	shalt  }
0x70: {  	_ =	shalt  }
0x71: {  	_ =	shalt  }
0x72: {  	_ =	shalt  }
0x73: {  	_ =	shalt  }
0x74: {  	_ =	shalt  }
0x75: {  	_ =	shalt  }
0x76: {  	_ =	shalt  }
0x77: {  	_ =	shalt  }
0x78: {  	_ =	shalt  }
0x79: {  	_ =	shalt  }
0x7a: {  	_ =	shalt  }
0x7b: {  	_ =	shalt  }
0x7c: {  	_ =	shalt  }
0x7d: {  	_ =	shalt  }
0x7e: {  	_ =	shalt  }
0x7f: {  	_ =	shalt  }
0x80: {  	_ =	shalt  }
0x81: {  	_ =	shalt  }
0x82: {  	_ =	shalt  }
0x83: {  	_ =	shalt  }
0x84: {  	_ =	shalt  }
0x85: {  	_ =	shalt  }
0x86: {  	_ =	shalt  }
0x87: {  	_ =	shalt  }
.Lfunc_end0:
.L_simem_size_0:
called_computation.3_lowered:
.L_overlay_start_0:
0x88: {  	s2 =	sld [smem:$0x3FD9]  }
0x89: {  	s3 =	sld [smem:$0x3FFE];
	_ =	sdelay $0x1  }
0x8a: {  	s1 =	srdreg.scid  }
0x8b: {  	s0 =	sand.u32 $0x1, s1  }
0x8c: {  	s16 =	sshll.u32 s0, $0xA;
	s2 =	sadd.s32 s3, s2  }
0x8d: {  	s2 =	sadd.s32 s2, s16  }
0x8e: {  	[smem:$0x3FB6] =	sst s2  }
0x8f: {  	_ = 	snop  }
0x90: {  	(tm) =	ssettm $0x1  }
0x91: {  	s17 =	sld [smem:$0x3FFB];
	_ =	sdelay $0x3  }
0x92: {  	_ =	strace s17  }
0x93: {  	s2 =	sld [smem:$0x3FFC];
	_ =	sdelay $0x3  }
0x94: {  	_ =	strace s2  }
0x95: {  	s2 =	sld [smem:$0x3FFD];
	_ =	sdelay $0x3  }
0x96: {  	_ =	strace s2  }
0x97: {  	_ =	strace $0x8FFFFFFF  }
0x98: {  	s18 =	sld [smem:$0x3FDB];
	_ =	sdelay $0x1  }
0x99: {  	s19 =	simm.s32 $_scs_section_size  }
0x9a: {  	s4 =	simm.s32 $_size__tile_overlayer_lowered;
	s5 =	simm.s32 $_tile_overlayer_lowered  }
0x9b: {  	s22 =	simm.s32 $0x1BFF;
	s21 =	sshll.u32 s5, $0x1;
	s2 =	sadd.s32 s19, s18  }
0x9c: {  	s6 =	simm.s32 $0x0;
	s20 =	sshll.u32 s4, $0x1;
	s4 =	sadd.s32 s21, s2  }
0x9d: {  	[timem:s6], [sflag:s22] =	dma.local [hbm:s4], s20  }
0x9e: {  	_ =	swait.ge [sflag:s22], s20  }
0x9f: {  	s3 =	ssub.s32 $0x0, s20;
	[sflag:s22] =	ssyncset.done $0x0  }
0xa0: {  	[sflag:s22] =	ssyncadd.s32 s3;
	_ =	sdelay $0x1  }
0xa1: {  	s23 =	simm.s32 $0x1B8B  }
0xa2: {  	_ =	swait.ge [sflag:s23], $0x1  }
0xa3: {  	[sflag:s23] =	ssyncset.done $0x0  }
0xa4: {  	s25 =	simm.s32 $0x1B8E;
	s24 =	sld [smem:$0x3FFE];
	[sflag:s23] =	ssyncadd.s32 $0xFFFFFFFF  }
0xa5: {  	s26 =	simm.s32 $execute0_lowered;
	[smem:$0x3FD2] =	sst s25  }
0xa6: {  	s4 =	sshll.u32 s26, $0x1;
	_ =	strace $0x8000004F;
	[dreg:$0x1] =	wrdreg $0xFFFFFFFF  }
0xa7: {  	s28 =	simm.s32 $_size_execute0_lowered;
	s2 =	sadd.s32 s2, s4;
	[dreg:$0x0] =	wrdreg $0x0  }
0xa8: {  	s4 =	sshll.u32 s28, $0x1;
	[dreg:$0x2] =	wrdreg s2  }
0xa9: {  	[dreg:$0x3] =	wrdreg s4  }
0xaa: {  	[dreg:$0x4] =	wrdreg $0xC0  }
0xab: {  	_ =	task [dreg:s6], $0x5FFFF  }
0xac: {  	[dreg:$0x1] =	wrdreg $0xFFFFFFFF  }
0xad: {  	[dreg:$0x0] =	wrdreg $0x60  }
0xae: {  	[dreg:$0x2] =	wrdreg s24  }
0xaf: {  	[dreg:$0x3] =	wrdreg $0x0  }
0xb0: {  	[dreg:$0x4] =	wrdreg $0x50000  }
0xb1: {  	[dreg:$0x5] =	wrdreg $0x9  }
0xb2: {  	_ =	task.clear_ibuf [dreg:s6], $0x6FFFF;
	_ =	strace $0x9000004F  }
0xb3: {  	s29 =	simm.s32 $0x9;
	_ =	strace $0x80000051  }
0xb4: {  	_ =	swait.ge [sflag:s29], $0x1  }
0xb5: {  	[sflag:s29] =	ssyncadd.s32 $0xFFFFFFFF  }
0xb6: {  	_ =	strace $0x90000051  }
0xb7: {  	_ =	sfence  }
0xb8: {  	s30 =	sld [smem:$0x0];
	_ =	sdelay $0x2  }
0xb9: {  	s31 =	sshll.u32 s1, $0xD;
	s1 =	sshrl.u32 s1, $0x2  }
0xba: {  	s3 =	sand.u32 $0x4000, s31;
	s1 =	sadd.s32 s1, s30  }
0xbb: {  	s0 =	sor.u32 s3, s0;
	s1 =	sshll.u32 s1, $0x11  }
0xbc: {  	s0 =	sor.u32 s1, s0  }
0xbd: {  	s0 =	sadd.s32 $0x8F2B, s0  }
0xbe: {  	[sflag:s0] =	ssyncadd.remote.s32 $0x1  }
0xbf: {  	_ =	sfence.sel $0xFFFF  }
0xc0: {  	[dreg:$0x0] =	wrdreg $0xFFFFFFFF;
	(pc) =	sbr.abs _section_cstart, $3  }
0xc1: {  	[dreg:$0x1] =	wrdreg $0xFFFFFFFF  }
0xc2: {  	_ =	task.clear_ibuf [dreg:s6], $0x2FFFF;
	_ =	strace $0x9FFFFFFF  }
0xc3: {  	(tm) =	ssettm $0x7FFFFFFF  }
tec
execute0_lowered:
.L_overlay_start_1:
0x0: {  	(tag) =	ssettag $0x1  }
0x1: {  	s5 =	rddreg [dreg:$0x0]  }
0x2: {  	s0 =	stileid.u32;
	s2 =	rddreg [dreg:$0x1]  }
0x3: {  	s1 =	srdreg.scid;
	s3 =	rddreg [dreg:$0x2]  }
0x4: {  	s4 =	simm.s32 $0x0;
	s13 =	simm.s32 $0x1;
	s15 =	simm.s32 $0xA000  }
0x5: {  	s16 =	simm.s32 $0xA400;
	s17 =	simm.s32 $0x400;
	s6 =	smul.u32 $0xA000, s0  }
0x6: {  	s18 =	simm.s32 $0xA800;
	s7 =	sand.u32 $0x1, s1;
	s9 =	smul.u32 $0x2800, s0  }
0x7: {  	s19 =	simm.s32 $0x0;
	s1 =	rddreg [dreg:$0x3];
	s8 =	smul.u32 $0x28000, s7  }
0x8: {  	[smem:$0x7FF] =	sst s4;
	s31 =	sshll.u32 s0, $0x6;
	s11 =	smul.u32 $0xA0000, s7  }
0x9: {  	_ =	strace $0x80000050;
	s7 =	ssub.s32 $0x2, s7;
	s10 =	sshrl.u32 s6, $0x4  }
0xa: {  	s29 =	sshrl.u32 s7, $0x1;
	s30 =	sshrl.u32 s6, $0x1;
	s10 =	sadd.s32 s10, s5  }
0xb: {  	s8 =	sadd.s32 s9, s8;
	s25 =	sadd.s32 s6, s11;
	s9 =	ssub.s32 s7, s29  }
0xc: {  	s12 =	sadd.s32 s30, s2;
	s6 =	sor.u32 $0x1C01, s31;
	s14 =	sadd.s32 s30, s3  }
0xd: {  	s8 =	sshrl.u32 s8, $0x3;
	s28 =	sshrl.u32 s25, $0x4;
	s7 =	sadd.s32 $0x1DE00, s10  }
0xe: {  	s9 =	smax.u32 s9, $0x1;
	s12 =	sshrl.u32 s12, $0x3;
	s14 =	sshrl.u32 s14, $0x3  }
0xf: {  	s26 =	sadd.s32 s8, s5;
	s8 =	sadd.s32 s28, s5;
	s5 =	sadd.s32 $0xE600, s10  }
0x10: {  	s8 =	sadd.s32 $0x31E00, s8;
	s10 =	sadd.s32 $0x4600, s26;
	s11 =	sadd.s32 $0x27E00, s26  }
.LBB2_1:
0x11: {  	[spmem:s12], [sflag:s6] =	dma.local [hbm:s5], $0xA00  }
0x12: {  	_ =	swait.ge [sflag:s13], $0xA00  }
0x13: {  	[sflag:s13] =	ssyncset.done $0x0  }
0x14: {  	[sflag:s13] =	ssyncadd.s32 $0xFFFFF600  }
0x15: {  	[spmem:s14], [sflag:s6] =	dma.local [hbm:s7], $0xA00  }
0x16: {  	_ =	swait.ge [sflag:s13], $0xA00  }
0x17: {  	[sflag:s13] =	ssyncset.done $0x0  }
0x18: {  	[sflag:s13] =	ssyncadd.s32 $0xFFFFF600  }
0x19: {  	s20 =	sadd.s32 $0x0, s11;
	[bflag:$0x0] =	sbarrier.arrive $0xFFFF  }
0x1a: {  	[tilespmem:s15], [sflag:$0x1] =	stream.linear.gather [hbm4b:s20+s4], $0x400, $0x38;
	[tilespmem:$0x12800] =	vst v63  }
0x1b: {  	_ =	swait.ge [sflag:s13], $0x400  }
0x1c: {  	[sflag:s13] =	ssyncset.done $0x0  }
0x1d: {  	s31 =	sadd.s32 $0x0, s10;
	[sflag:s13] =	ssyncadd.s32 $0xFFFFFC00  }
0x1e: {  	[tilespmem:s16], [sflag:$0x1] =	stream.linear.gather [hbm4b:s31+s4], $0x400, $0x38;
	[tilespmem:$0x12800] =	vst v63  }
0x1f: {  	_ =	swait.ge [sflag:s13], $0x400  }
0x20: {  	[sflag:s13] =	ssyncset.done $0x0  }
0x21: {  	[sflag:s13] =	ssyncadd.s32 $0xFFFFFC00  }
0x22: {  	[tilespmem:s18], [sflag:$0x1] =	stream.indirect.gather [spmem:s2], $0x20, s15, s17, $0xb8;
	[tilespmem:$0x12800] =	vst v63  }
0x23: {  	_ =	swait.ge [sflag:s13], $0x8000  }
0x24: {  	[sflag:s13] =	ssyncset.done $0x0  }
0x25: {  	[sflag:s13] =	ssyncadd.s32 $0xFFFF8000  }
0x26: {  	[spmem:s3] =	stream.indirect.scatter.add.bf16 [tilespmem:s18], [sflag:$0x1], $0x20, s16, s17, $0xb8;
	[tilespmem:$0x12800] =	vst v63  }
0x27: {  	_ =	swait.ge [sflag:s13], $0x8000  }
0x28: {  	s21 =	simm.s32 $0x100;
	s20 =	simm.s32 $0x80;
	[sflag:s13] =	ssyncset.done $0x0  }
.LBB2_2:
0x29: {  	s22 =	sadd.s32 s20, s11  }
0x2a: {  	[sflag:s13] =	ssyncadd.s32 $0xFFFF8000;
	s23 =	smov.u32 s21;
	s24 =	sadd.s32 $0x80, s21  }
0x2b: {  	[tilespmem:s15], [sflag:$0x1] =	stream.linear.gather [hbm4b:s22+s4], $0x400, $0x38;
	[tilespmem:$0x12800] =	vst v63  }
0x2c: {  	p0 =	sne.s32 s21, $0x480;
	_ =	swait.ge [sflag:s13], $0x400  }
0x2d: {  	[sflag:s13] =	ssyncset.done $0x0  }
0x2e: {  	s21 =	sadd.s32 s20, s10;
	s20 =	smov.u32 s23;
	[sflag:s13] =	ssyncadd.s32 $0xFFFFFC00  }
0x2f: {  	[tilespmem:s16], [sflag:$0x1] =	stream.linear.gather [hbm4b:s21+s4], $0x400, $0x38;
	[tilespmem:$0x12800] =	vst v63  }
0x30: {  	_ =	swait.ge [sflag:s13], $0x400  }
0x31: {  	[sflag:s13] =	ssyncset.done $0x0  }
0x32: {  	[sflag:s13] =	ssyncadd.s32 $0xFFFFFC00  }
0x33: {  	[tilespmem:s18], [sflag:$0x1] =	stream.indirect.gather [spmem:s2], $0x20, s15, s17, $0xb8;
	[tilespmem:$0x12800] =	vst v63  }
0x34: {  	_ =	swait.ge [sflag:s13], $0x8000  }
.Ltmp0:
0x35: {  	[sflag:s13] =	ssyncset.done $0x0;
	(pc) =	sbr.rel @p0 .LBB2_2-.Ltmp0, $4  }
0x36: {  	[sflag:s13] =	ssyncadd.s32 $0xFFFF8000  }
0x37: {  	[spmem:s3] =	stream.indirect.scatter.add.bf16 [tilespmem:s18], [sflag:$0x1], $0x20, s16, s17, $0xb8;
	[tilespmem:$0x12800] =	vst v63  }
0x38: {  	_ =	swait.ge [sflag:s13], $0x8000  }
0x39: {  	s21 =	smov.u32 s24;
	[sflag:s13] =	ssyncset.done $0x0  }
0x3a: {  	s21 =	sadd.s32 s20, s11;
	[sflag:s13] =	ssyncadd.s32 $0xFFFF8000  }
0x3b: {  	[tilespmem:s15], [sflag:$0x1] =	stream.linear.gather [hbm4b:s21+s4], $0x400, $0x38;
	[tilespmem:$0x12800] =	vst v63  }
0x3c: {  	_ =	swait.ge [sflag:s13], $0x400  }
0x3d: {  	[sflag:s13] =	ssyncset.done $0x0  }
0x3e: {  	s31 =	sadd.s32 s20, s10;
	[sflag:s13] =	ssyncadd.s32 $0xFFFFFC00  }
0x3f: {  	[tilespmem:s16], [sflag:$0x1] =	stream.linear.gather [hbm4b:s31+s4], $0x400, $0x38;
	[tilespmem:$0x12800] =	vst v63  }
0x40: {  	_ =	swait.ge [sflag:s13], $0x400  }
0x41: {  	[sflag:s13] =	ssyncset.done $0x0  }
0x42: {  	[sflag:s13] =	ssyncadd.s32 $0xFFFFFC00  }
0x43: {  	[tilespmem:s18], [sflag:$0x1] =	stream.indirect.gather [spmem:s2], $0x20, s15, s17, $0xb8;
	[tilespmem:$0x12800] =	vst v63  }
0x44: {  	_ =	swait.ge [sflag:s13], $0x8000  }
0x45: {  	[sflag:s13] =	ssyncset.done $0x0  }
0x46: {  	[sflag:s13] =	ssyncadd.s32 $0xFFFF8000  }
0x47: {  	[spmem:s3] =	stream.indirect.scatter.add.bf16 [tilespmem:s18], [sflag:$0x1], $0x20, s16, s17, $0xb8;
	[tilespmem:$0x12800] =	vst v63  }
0x48: {  	_ =	swait.ge [sflag:s13], $0x8000  }
0x49: {  	s19 =	sadd.s32 $0x1, s19;
	[sflag:s13] =	ssyncset.done $0x0  }
0x4a: {  	p0 =	sne.s32 s19, s9;
	[sflag:s13] =	ssyncadd.s32 $0xFFFF8000  }
.Ltmp1:
0x4b: {  	[bflag:$0x0] =	sbarrier.arrive $0xFFFF;
	(pc) =	sbr.rel @p0 .LBB2_1-.Ltmp1, $4  }
0x4c: {  	[hbm:s8], [sflag:s6] =	dma.local [spmem:s14], $0xA00  }
0x4d: {  	_ =	swait.ge [sflag:s13], $0xA00  }
0x4e: {  	[sflag:s13] =	ssyncset.done $0x0  }
0x4f: {  	[sflag:s13] =	ssyncadd.s32 $0xFFFFF600  }
0x50: {  	_ =	sfence.sel $0x180000  }
0x51: {  	[bflag:$0x0] =	sbarrier.arrive $0xFFFF  }
0x52: {  	p0 =	sne.s32 s0, $0x0;
	_ =	strace $0x90000050  }
0x53: {  	s0 =	sadd.s32 @!p0 $0x100000, s1;
	[bflag:$0x2] =	sbarrier.arrive $0xFFFF  }
0x54: {  	[sflag:s0] =	ssyncadd.tile.s32 @!p0 $0x1;
	_ =	shalt  }
.Lfunc_end2:
_tile_overlayer_lowered:
.L_overlay_start_2:
0x55: {  	(tag) =	ssettag $0x2  }
0x56: {  	s0 =	rddreg [dreg:$0x0];
	s2 =	stileid.u32  }
0x57: {  	s1 =	rddreg [dreg:$0x1];
	p0 =	sne.s32 s2, $0x0  }
0x58: {  	s3 =	rddreg [dreg:$0x2];
	[bflag:$0x3] =	sbarrier.arrive $0xFFFF;
	s2 =	simm.s32 @!p0 $0x1C01  }
0x59: {  	[timem:s3], [sflag:s2] =	dma.local @!p0 [hbm:s0], s1  }
0x5a: {  	s0 =	simm.s32 @!p0 $0x1  }
0x5b: {  	_ =	swait.ge @!p0 [sflag:s0], s1  }
0x5c: {  	s1 =	ssub.s32 @!p0 $0x0, s1;
	[sflag:s0] =	ssyncset.done @!p0 $0x0  }
0x5d: {  	[sflag:s0] =	ssyncadd.s32 @!p0 s1  }
0x5e: {  	[bflag:$0x3] =	sbarrier.arrive $0xFFFF  }
0x5f: {  	_ =	shalt  }

</sc_bundles>
